<compile_context>
chip_gen: v7x
topology: tpu7x:2x2x1
jax: 0.10.2.dev20260603
libtpu: 0.0.44.dev20260713+nightly
codegen_flags: <defaults>
</compile_context>

<pallas_src>
import functools

import jax
import jax.numpy as jnp
from jax import lax
from jax.experimental import pallas as pl
from jax.experimental.pallas import tpu as pltpu
from jax.experimental.pallas import tpu_sc as plsc

M = 1000000
D = 64
B = 16384
DP = 128

NC = 2
NS = 16
L = 16
NW = NC * NS
BPW = B // NW
CHUNK = 128
NCH = BPW // CHUNK


def _sc_kernel_body(buf_hbm, data_hbm, idx_hbm, out_hbm,
                    idx2d, idxd2d, buf_rows, data_rows, sem):
    wid = lax.axis_index("s") * NC + lax.axis_index("c")
    base = wid * BPW

    for j in range(NCH):
        pltpu.sync_copy(idx_hbm.at[pl.ds(base + j * CHUNK, CHUNK)],
                        idx2d.at[j])

    lane = lax.iota(jnp.int32, L)
    for j in range(NCH):
        for t in range(CHUNK // L):
            v = idx2d[j, pl.ds(t * L, L)]
            pos = lane + (base + j * CHUNK + t * L)
            idxd2d[j, pl.ds(t * L, L)] = jnp.where(v < B, v, pos)

    for half in range(2):
        hbase = half * (BPW // 2)
        handles = []
        for jj in range(NCH // 2):
            j = half * (NCH // 2) + jj
            handles.append(pltpu.async_copy(
                buf_hbm.at[idx2d.at[j]],
                buf_rows.at[pl.ds(jj * CHUNK, CHUNK)], sem))
            handles.append(pltpu.async_copy(
                data_hbm.at[idxd2d.at[j]],
                data_rows.at[pl.ds(jj * CHUNK, CHUNK)], sem))
        for h in handles:
            h.wait()

        def group_body(g, carry):
            gg = g + half * (BPW // 2 // L)
            vi = idx2d[lax.div(gg, 8), pl.ds(lax.rem(gg, 8) * L, L)]

            @pl.when(jnp.any(vi < B))
            def _fix_group():
                def row_body(r, c2):
                    i = gg * L + r
                    vb = plsc.load_gather(
                        idx2d,
                        [jnp.zeros((L,), jnp.int32) + (i >> 7),
                         jnp.zeros((L,), jnp.int32) + (i & 127)])
                    mask = vb < B

                    @pl.when(jnp.any(mask))
                    def _fix_row():
                        row_vec = jnp.zeros((L,), jnp.int32) + (i - hbase)
                        for cc in range(D // L):
                            col = lax.iota(jnp.int32, L) + (cc * L)
                            bv = plsc.load_gather(buf_rows, [row_vec, col])
                            dv = plsc.load_gather(data_rows, [row_vec, col])
                            plsc.store_scatter(buf_rows, [row_vec, col],
                                               jnp.where(mask, dv, bv))
                    return c2
                lax.fori_loop(0, L, row_body, 0)
            return carry

        lax.fori_loop(0, BPW // 2 // L, group_body, 0)
        pltpu.sync_copy(buf_rows.at[:, pl.ds(0, D)],
                        out_hbm.at[pl.ds(base + hbase, BPW // 2)])


@functools.partial(jax.jit, static_argnames=())
def _run(buffer, data, sample_idx_2d):
    mesh = plsc.VectorSubcoreMesh(core_axis_name="c", subcore_axis_name="s")
    call = functools.partial(
        pl.kernel,
        mesh=mesh,
        compiler_params=pltpu.CompilerParams(
            needs_layout_passes=False, use_tc_tiling_on_sc=False),
        out_type=jax.ShapeDtypeStruct((B, D), jnp.float32),
        scratch_types=[
            pltpu.VMEM((NCH, CHUNK), jnp.int32),
            pltpu.VMEM((NCH, CHUNK), jnp.int32),
            pltpu.VMEM((BPW // 2, DP), jnp.float32),
            pltpu.VMEM((BPW // 2, DP), jnp.float32),
            pltpu.SemaphoreType.DMA,
        ],
    )(_sc_kernel_body)
    return call(buffer, data, sample_idx_2d)


def kernel(buffer, data, write_idx, sample_idx):
    del write_idx
    buf_p = jnp.pad(buffer, ((0, 0), (0, DP - D)))
    data_p = jnp.pad(data, ((0, 0), (0, DP - D)))
    return _run(buf_p, data_p, sample_idx)

# --- scband reference (transcript-rebuilt; emitter-appended) ---
"""Pipeline reference for scband-replay-buffer-1314259993174 (READ-ONLY COPY).

The authoritative reference and input builder live on the scoring server;
editing this copy changes nothing except your own understanding.
"""

import jax, jax.numpy as jnp
import numpy as np

M = 1000000
D = 64
B = 16384

def setup_inputs(seed: int = 0) -> dict:
    key = jax.random.key(seed)
    k1, k2, k3 = jax.random.split(key, 3)
    buffer = jax.random.normal(k1, (M, D), dtype=jnp.float32)
    data = jax.random.normal(k2, (B, D), dtype=jnp.float32)
    # store() writes sequentially from head=0: positions head..head+B (mod M)
    write_idx = jnp.arange(B, dtype=jnp.int32)
    # sample() gathers via a random permutation buffer; random in-range indices model _sample_idx[idx]
    sample_idx = jax.random.randint(k3, (B,), 0, M, dtype=jnp.int32)
    return {"buffer": buffer, "data": data, "write_idx": write_idx, "sample_idx": sample_idx}

def reference(buffer, data, write_idx, sample_idx):
    # ReplayBuffer.store: curr_buf[head:head+n] = data (head=0, no wrap since B <= M)
    new_buf = buffer.at[write_idx].set(data)
    # ReplayBuffer.sample: rand_idx = self._sample_idx[idx]; samples = buf[rand_idx]
    samples = jnp.take(new_buf, sample_idx, axis=0)
    return samples

if __name__ == "__main__":
    import jax
    _d = setup_inputs()
    print(jax.jit(kernel)(*tuple(_d.values())))

</pallas_src>

<mosaic_0001>
#map = affine_map<(d0, d1) -> (0, 0)>
#map1 = affine_map<(d0, d1) -> (0)>
module attributes {stable_mosaic.version = 14 : i64} {
  func.func @_sc_kernel_body(%arg0: i32, %arg1: i32, %arg2: memref<1000000x128xf32, #tpu.memory_space<hbm>>, %arg3: memref<16384x128xf32, #tpu.memory_space<hbm>>, %arg4: memref<16384xi32, #tpu.memory_space<hbm>>, %arg5: memref<16384x64xf32, #tpu.memory_space<hbm>>, %arg6: memref<4x128xi32, #tpu.memory_space<vmem>>, %arg7: memref<4x128xi32, #tpu.memory_space<vmem>>, %arg8: memref<256x128xf32, #tpu.memory_space<vmem>>, %arg9: memref<256x128xf32, #tpu.memory_space<vmem>>, %arg10: memref<!tpu.dma_semaphore, #tpu.memory_space<semaphore_mem>>) attributes {dimension_semantics = [#tpu.dimension_semantics<core_parallel>, #tpu.dimension_semantics<subcore_parallel>], iteration_bounds = array<i64: 2, 16>, scalar_prefetch = 0 : i64, scratch_operands = 5 : i64, tpu.core_type = #tpu.core_type<sc_vector_subcore>, window_params = [{transform_indices = #map}, {transform_indices = #map}, {transform_indices = #map1}, {transform_indices = #map}]} {
    %mul3A = arith.constant 2 : i32
    %mul3A_0 = arith.muli %arg1, %mul3A : i32
    %add3A = arith.addi %mul3A_0, %arg0 : i32
    %mul3A_1 = arith.constant 512 : i32
    %mul3A_2 = arith.muli %add3A, %mul3A_1 : i32
    %add3A_3 = arith.constant 0 : i32
    %add3A_4 = arith.addi %mul3A_2, %add3A_3 : i32
    %run_scoped3A = arith.constant 0 : i32
    "tpu.region"() ({
      %run_scoped3A_759 = tpu.sem_alloc : memref<!tpu.dma_semaphore, #tpu.memory_space<semaphore_mem>>
      %dma_start3A_760 = arith.constant 0 : i32
      %dma_start3A_761 = tpu.memref_slice %arg6[%run_scoped3A, %dma_start3A_760] : memref<4x128xi32, #tpu.memory_space<vmem>> -> memref<1x128xi32, #tpu.memory_space<vmem>>
      %dma_start3A_762 = tpu.memref_squeeze %dma_start3A_761 : memref<1x128xi32, #tpu.memory_space<vmem>> -> memref<128xi32, #tpu.memory_space<vmem>>
      %dma_start3A_763 = tpu.memref_slice %arg4[%add3A_4] : memref<16384xi32, #tpu.memory_space<hbm>> -> memref<128xi32, #tpu.memory_space<hbm>>
      %dma_start3A_764 = arith.constant 0 : i32
      %dma_start3A_765 = tpu.memref_slice %arg6[%run_scoped3A, %dma_start3A_764] : memref<4x128xi32, #tpu.memory_space<vmem>> -> memref<1x128xi32, #tpu.memory_space<vmem>>
      %dma_start3A_766 = tpu.memref_squeeze %dma_start3A_765 : memref<1x128xi32, #tpu.memory_space<vmem>> -> memref<128xi32, #tpu.memory_space<vmem>>
      %dma_start3A_767 = tpu.memref_slice %arg4[%add3A_4] : memref<16384xi32, #tpu.memory_space<hbm>> -> memref<128xi32, #tpu.memory_space<hbm>>
      tpu.enqueue_dma source(%dma_start3A_767 : memref<128xi32, #tpu.memory_space<hbm>>) target(%dma_start3A_766 : memref<128xi32, #tpu.memory_space<vmem>>) target_semaphore(%run_scoped3A_759 : memref<!tpu.dma_semaphore, #tpu.memory_space<semaphore_mem>>)
      %dma_wait3A_768 = arith.constant 0 : i32
      %dma_wait3A_769 = tpu.memref_slice %arg6[%run_scoped3A, %dma_wait3A_768] : memref<4x128xi32, #tpu.memory_space<vmem>> -> memref<1x128xi32, #tpu.memory_space<vmem>>
      %dma_wait3A_770 = tpu.memref_squeeze %dma_wait3A_769 : memref<1x128xi32, #tpu.memory_space<vmem>> -> memref<128xi32, #tpu.memory_space<vmem>>
      %dma_wait3A_771 = tpu.memref_slice %arg4[%add3A_4] : memref<16384xi32, #tpu.memory_space<hbm>> -> memref<128xi32, #tpu.memory_space<hbm>>
      %dma_wait3A_772 = arith.constant 0 : i32
      %dma_wait3A_773 = tpu.memref_slice %arg6[%run_scoped3A, %dma_wait3A_772] : memref<4x128xi32, #tpu.memory_space<vmem>> -> memref<1x128xi32, #tpu.memory_space<vmem>>
      %dma_wait3A_774 = tpu.memref_squeeze %dma_wait3A_773 : memref<1x128xi32, #tpu.memory_space<vmem>> -> memref<128xi32, #tpu.memory_space<vmem>>
      %dma_wait3A_775 = tpu.memref_slice %arg4[%add3A_4] : memref<16384xi32, #tpu.memory_space<hbm>> -> memref<128xi32, #tpu.memory_space<hbm>>
      tpu.wait_dma2 semaphore(%run_scoped3A_759 : memref<!tpu.dma_semaphore, #tpu.memory_space<semaphore_mem>>) src(%dma_wait3A_775 : memref<128xi32, #tpu.memory_space<hbm>>) dst(%dma_wait3A_774 : memref<128xi32, #tpu.memory_space<vmem>>)
      tpu.yield
    }) : () -> ()
    %add3A_5 = arith.constant 128 : i32
    %add3A_6 = arith.addi %mul3A_2, %add3A_5 : i32
    %run_scoped3A_7 = arith.constant 1 : i32
    "tpu.region"() ({
      %run_scoped3A_759 = tpu.sem_alloc : memref<!tpu.dma_semaphore, #tpu.memory_space<semaphore_mem>>
      %dma_start3A_760 = arith.constant 0 : i32
      %dma_start3A_761 = tpu.memref_slice %arg6[%run_scoped3A_7, %dma_start3A_760] : memref<4x128xi32, #tpu.memory_space<vmem>> -> memref<1x128xi32, #tpu.memory_space<vmem>>
      %dma_start3A_762 = tpu.memref_squeeze %dma_start3A_761 : memref<1x128xi32, #tpu.memory_space<vmem>> -> memref<128xi32, #tpu.memory_space<vmem>>
      %dma_start3A_763 = tpu.memref_slice %arg4[%add3A_6] : memref<16384xi32, #tpu.memory_space<hbm>> -> memref<128xi32, #tpu.memory_space<hbm>>
      %dma_start3A_764 = arith.constant 0 : i32
      %dma_start3A_765 = tpu.memref_slice %arg6[%run_scoped3A_7, %dma_start3A_764] : memref<4x128xi32, #tpu.memory_space<vmem>> -> memref<1x128xi32, #tpu.memory_space<vmem>>
      %dma_start3A_766 = tpu.memref_squeeze %dma_start3A_765 : memref<1x128xi32, #tpu.memory_space<vmem>> -> memref<128xi32, #tpu.memory_space<vmem>>
      %dma_start3A_767 = tpu.memref_slice %arg4[%add3A_6] : memref<16384xi32, #tpu.memory_space<hbm>> -> memref<128xi32, #tpu.memory_space<hbm>>
      tpu.enqueue_dma source(%dma_start3A_767 : memref<128xi32, #tpu.memory_space<hbm>>) target(%dma_start3A_766 : memref<128xi32, #tpu.memory_space<vmem>>) target_semaphore(%run_scoped3A_759 : memref<!tpu.dma_semaphore, #tpu.memory_space<semaphore_mem>>)
      %dma_wait3A_768 = arith.constant 0 : i32
      %dma_wait3A_769 = tpu.memref_slice %arg6[%run_scoped3A_7, %dma_wait3A_768] : memref<4x128xi32, #tpu.memory_space<vmem>> -> memref<1x128xi32, #tpu.memory_space<vmem>>
      %dma_wait3A_770 = tpu.memref_squeeze %dma_wait3A_769 : memref<1x128xi32, #tpu.memory_space<vmem>> -> memref<128xi32, #tpu.memory_space<vmem>>
      %dma_wait3A_771 = tpu.memref_slice %arg4[%add3A_6] : memref<16384xi32, #tpu.memory_space<hbm>> -> memref<128xi32, #tpu.memory_space<hbm>>
      %dma_wait3A_772 = arith.constant 0 : i32
      %dma_wait3A_773 = tpu.memref_slice %arg6[%run_scoped3A_7, %dma_wait3A_772] : memref<4x128xi32, #tpu.memory_space<vmem>> -> memref<1x128xi32, #tpu.memory_space<vmem>>
      %dma_wait3A_774 = tpu.memref_squeeze %dma_wait3A_773 : memref<1x128xi32, #tpu.memory_space<vmem>> -> memref<128xi32, #tpu.memory_space<vmem>>
      %dma_wait3A_775 = tpu.memref_slice %arg4[%add3A_6] : memref<16384xi32, #tpu.memory_space<hbm>> -> memref<128xi32, #tpu.memory_space<hbm>>
      tpu.wait_dma2 semaphore(%run_scoped3A_759 : memref<!tpu.dma_semaphore, #tpu.memory_space<semaphore_mem>>) src(%dma_wait3A_775 : memref<128xi32, #tpu.memory_space<hbm>>) dst(%dma_wait3A_774 : memref<128xi32, #tpu.memory_space<vmem>>)
      tpu.yield
    }) : () -> ()
    %add3A_8 = arith.constant 256 : i32
    %add3A_9 = arith.addi %mul3A_2, %add3A_8 : i32
    %run_scoped3A_10 = arith.constant 2 : i32
    "tpu.region"() ({
      %run_scoped3A_759 = tpu.sem_alloc : memref<!tpu.dma_semaphore, #tpu.memory_space<semaphore_mem>>
      %dma_start3A_760 = arith.constant 0 : i32
      %dma_start3A_761 = tpu.memref_slice %arg6[%run_scoped3A_10, %dma_start3A_760] : memref<4x128xi32, #tpu.memory_space<vmem>> -> memref<1x128xi32, #tpu.memory_space<vmem>>
      %dma_start3A_762 = tpu.memref_squeeze %dma_start3A_761 : memref<1x128xi32, #tpu.memory_space<vmem>> -> memref<128xi32, #tpu.memory_space<vmem>>
      %dma_start3A_763 = tpu.memref_slice %arg4[%add3A_9] : memref<16384xi32, #tpu.memory_space<hbm>> -> memref<128xi32, #tpu.memory_space<hbm>>
      %dma_start3A_764 = arith.constant 0 : i32
      %dma_start3A_765 = tpu.memref_slice %arg6[%run_scoped3A_10, %dma_start3A_764] : memref<4x128xi32, #tpu.memory_space<vmem>> -> memref<1x128xi32, #tpu.memory_space<vmem>>
      %dma_start3A_766 = tpu.memref_squeeze %dma_start3A_765 : memref<1x128xi32, #tpu.memory_space<vmem>> -> memref<128xi32, #tpu.memory_space<vmem>>
      %dma_start3A_767 = tpu.memref_slice %arg4[%add3A_9] : memref<16384xi32, #tpu.memory_space<hbm>> -> memref<128xi32, #tpu.memory_space<hbm>>
      tpu.enqueue_dma source(%dma_start3A_767 : memref<128xi32, #tpu.memory_space<hbm>>) target(%dma_start3A_766 : memref<128xi32, #tpu.memory_space<vmem>>) target_semaphore(%run_scoped3A_759 : memref<!tpu.dma_semaphore, #tpu.memory_space<semaphore_mem>>)
      %dma_wait3A_768 = arith.constant 0 : i32
      %dma_wait3A_769 = tpu.memref_slice %arg6[%run_scoped3A_10, %dma_wait3A_768] : memref<4x128xi32, #tpu.memory_space<vmem>> -> memref<1x128xi32, #tpu.memory_space<vmem>>
      %dma_wait3A_770 = tpu.memref_squeeze %dma_wait3A_769 : memref<1x128xi32, #tpu.memory_space<vmem>> -> memref<128xi32, #tpu.memory_space<vmem>>
      %dma_wait3A_771 = tpu.memref_slice %arg4[%add3A_9] : memref<16384xi32, #tpu.memory_space<hbm>> -> memref<128xi32, #tpu.memory_space<hbm>>
      %dma_wait3A_772 = arith.constant 0 : i32
      %dma_wait3A_773 = tpu.memref_slice %arg6[%run_scoped3A_10, %dma_wait3A_772] : memref<4x128xi32, #tpu.memory_space<vmem>> -> memref<1x128xi32, #tpu.memory_space<vmem>>
      %dma_wait3A_774 = tpu.memref_squeeze %dma_wait3A_773 : memref<1x128xi32, #tpu.memory_space<vmem>> -> memref<128xi32, #tpu.memory_space<vmem>>
      %dma_wait3A_775 = tpu.memref_slice %arg4[%add3A_9] : memref<16384xi32, #tpu.memory_space<hbm>> -> memref<128xi32, #tpu.memory_space<hbm>>
      tpu.wait_dma2 semaphore(%run_scoped3A_759 : memref<!tpu.dma_semaphore, #tpu.memory_space<semaphore_mem>>) src(%dma_wait3A_775 : memref<128xi32, #tpu.memory_space<hbm>>) dst(%dma_wait3A_774 : memref<128xi32, #tpu.memory_space<vmem>>)
      tpu.yield
    }) : () -> ()
    %add3A_11 = arith.constant 384 : i32
    %add3A_12 = arith.addi %mul3A_2, %add3A_11 : i32
    %run_scoped3A_13 = arith.constant 3 : i32
    "tpu.region"() ({
      %run_scoped3A_759 = tpu.sem_alloc : memref<!tpu.dma_semaphore, #tpu.memory_space<semaphore_mem>>
      %dma_start3A_760 = arith.constant 0 : i32
      %dma_start3A_761 = tpu.memref_slice %arg6[%run_scoped3A_13, %dma_start3A_760] : memref<4x128xi32, #tpu.memory_space<vmem>> -> memref<1x128xi32, #tpu.memory_space<vmem>>
      %dma_start3A_762 = tpu.memref_squeeze %dma_start3A_761 : memref<1x128xi32, #tpu.memory_space<vmem>> -> memref<128xi32, #tpu.memory_space<vmem>>
      %dma_start3A_763 = tpu.memref_slice %arg4[%add3A_12] : memref<16384xi32, #tpu.memory_space<hbm>> -> memref<128xi32, #tpu.memory_space<hbm>>
      %dma_start3A_764 = arith.constant 0 : i32
      %dma_start3A_765 = tpu.memref_slice %arg6[%run_scoped3A_13, %dma_start3A_764] : memref<4x128xi32, #tpu.memory_space<vmem>> -> memref<1x128xi32, #tpu.memory_space<vmem>>
      %dma_start3A_766 = tpu.memref_squeeze %dma_start3A_765 : memref<1x128xi32, #tpu.memory_space<vmem>> -> memref<128xi32, #tpu.memory_space<vmem>>
      %dma_start3A_767 = tpu.memref_slice %arg4[%add3A_12] : memref<16384xi32, #tpu.memory_space<hbm>> -> memref<128xi32, #tpu.memory_space<hbm>>
      tpu.enqueue_dma source(%dma_start3A_767 : memref<128xi32, #tpu.memory_space<hbm>>) target(%dma_start3A_766 : memref<128xi32, #tpu.memory_space<vmem>>) target_semaphore(%run_scoped3A_759 : memref<!tpu.dma_semaphore, #tpu.memory_space<semaphore_mem>>)
      %dma_wait3A_768 = arith.constant 0 : i32
      %dma_wait3A_769 = tpu.memref_slice %arg6[%run_scoped3A_13, %dma_wait3A_768] : memref<4x128xi32, #tpu.memory_space<vmem>> -> memref<1x128xi32, #tpu.memory_space<vmem>>
      %dma_wait3A_770 = tpu.memref_squeeze %dma_wait3A_769 : memref<1x128xi32, #tpu.memory_space<vmem>> -> memref<128xi32, #tpu.memory_space<vmem>>
      %dma_wait3A_771 = tpu.memref_slice %arg4[%add3A_12] : memref<16384xi32, #tpu.memory_space<hbm>> -> memref<128xi32, #tpu.memory_space<hbm>>
      %dma_wait3A_772 = arith.constant 0 : i32
      %dma_wait3A_773 = tpu.memref_slice %arg6[%run_scoped3A_13, %dma_wait3A_772] : memref<4x128xi32, #tpu.memory_space<vmem>> -> memref<1x128xi32, #tpu.memory_space<vmem>>
      %dma_wait3A_774 = tpu.memref_squeeze %dma_wait3A_773 : memref<1x128xi32, #tpu.memory_space<vmem>> -> memref<128xi32, #tpu.memory_space<vmem>>
      %dma_wait3A_775 = tpu.memref_slice %arg4[%add3A_12] : memref<16384xi32, #tpu.memory_space<hbm>> -> memref<128xi32, #tpu.memory_space<hbm>>
      tpu.wait_dma2 semaphore(%run_scoped3A_759 : memref<!tpu.dma_semaphore, #tpu.memory_space<semaphore_mem>>) src(%dma_wait3A_775 : memref<128xi32, #tpu.memory_space<hbm>>) dst(%dma_wait3A_774 : memref<128xi32, #tpu.memory_space<vmem>>)
      tpu.yield
    }) : () -> ()
    %iota3A = tpu.iota {dimensions = array<i32: 0>} : vector<16xi32>
    %get3A = arith.constant 0 : i32
    %get3A_14 = arith.index_cast %get3A : i32 to index
    %get3A_15 = arith.constant 0 : index
    %get3A_16 = tpu.vector_load %arg6[%get3A_14, %get3A_15] {strides = array<i32>} : memref<4x128xi32, #tpu.memory_space<vmem>>, vector<16xi32>,
    %add3A_17 = arith.constant 0 : i32
    %add3A_18 = arith.addi %mul3A_2, %add3A_17 : i32
    %add3A_19 = arith.constant 0 : i32
    %add3A_20 = arith.addi %add3A_18, %add3A_19 : i32
    %add3A_21 = vector.broadcast %add3A_20 : i32 to vector<16xi32>
    %add3A_22 = arith.addi %iota3A, %add3A_21 : vector<16xi32>
    %lt3A = arith.constant 16384 : i32
    %lt3A_23 = vector.broadcast %lt3A : i32 to vector<16xi32>
    %lt3A_24 = arith.cmpi slt, %get3A_16, %lt3A_23 : vector<16xi32>
    %select_n3A = arith.select %lt3A_24, %get3A_16, %add3A_22 : vector<16xi1>, vector<16xi32>
    %swap3A = arith.constant 0 : i32
    %swap3A_25 = arith.index_cast %swap3A : i32 to index
    %swap3A_26 = arith.constant 0 : index
    %swap3A_27 = tpu.vector_load %arg7[%swap3A_25, %swap3A_26] {strides = array<i32>} : memref<4x128xi32, #tpu.memory_space<vmem>>, vector<16xi32>,
    tpu.vector_store %arg7[%swap3A_25, %swap3A_26], %select_n3A {strides = array<i32>} : memref<4x128xi32, #tpu.memory_space<vmem>>, vector<16xi32>,
    %get3A_28 = arith.constant 0 : i32
    %get3A_29 = arith.index_cast %get3A_28 : i32 to index
    %get3A_30 = arith.constant 16 : index
    %get3A_31 = tpu.vector_load %arg6[%get3A_29, %get3A_30] {strides = array<i32>} : memref<4x128xi32, #tpu.memory_space<vmem>>, vector<16xi32>,
    %add3A_32 = arith.constant 0 : i32
    %add3A_33 = arith.addi %mul3A_2, %add3A_32 : i32
    %add3A_34 = arith.constant 16 : i32
    %add3A_35 = arith.addi %add3A_33, %add3A_34 : i32
    %add3A_36 = vector.broadcast %add3A_35 : i32 to vector<16xi32>
    %add3A_37 = arith.addi %iota3A, %add3A_36 : vector<16xi32>
    %lt3A_38 = arith.constant 16384 : i32
    %lt3A_39 = vector.broadcast %lt3A_38 : i32 to vector<16xi32>
    %lt3A_40 = arith.cmpi slt, %get3A_31, %lt3A_39 : vector<16xi32>
    %select_n3A_41 = arith.select %lt3A_40, %get3A_31, %add3A_37 : vector<16xi1>, vector<16xi32>
    %swap3A_42 = arith.constant 0 : i32
    %swap3A_43 = arith.index_cast %swap3A_42 : i32 to index
    %swap3A_44 = arith.constant 16 : index
    %swap3A_45 = tpu.vector_load %arg7[%swap3A_43, %swap3A_44] {strides = array<i32>} : memref<4x128xi32, #tpu.memory_space<vmem>>, vector<16xi32>,
    tpu.vector_store %arg7[%swap3A_43, %swap3A_44], %select_n3A_41 {strides = array<i32>} : memref<4x128xi32, #tpu.memory_space<vmem>>, vector<16xi32>,
    %get3A_46 = arith.constant 0 : i32
    %get3A_47 = arith.index_cast %get3A_46 : i32 to index
    %get3A_48 = arith.constant 32 : index
    %get3A_49 = tpu.vector_load %arg6[%get3A_47, %get3A_48] {strides = array<i32>} : memref<4x128xi32, #tpu.memory_space<vmem>>, vector<16xi32>,
    %add3A_50 = arith.constant 0 : i32
    %add3A_51 = arith.addi %mul3A_2, %add3A_50 : i32
    %add3A_52 = arith.constant 32 : i32
    %add3A_53 = arith.addi %add3A_51, %add3A_52 : i32
    %add3A_54 = vector.broadcast %add3A_53 : i32 to vector<16xi32>
    %add3A_55 = arith.addi %iota3A, %add3A_54 : vector<16xi32>
    %lt3A_56 = arith.constant 16384 : i32
    %lt3A_57 = vector.broadcast %lt3A_56 : i32 to vector<16xi32>
    %lt3A_58 = arith.cmpi slt, %get3A_49, %lt3A_57 : vector<16xi32>
    %select_n3A_59 = arith.select %lt3A_58, %get3A_49, %add3A_55 : vector<16xi1>, vector<16xi32>
    %swap3A_60 = arith.constant 0 : i32
    %swap3A_61 = arith.index_cast %swap3A_60 : i32 to index
    %swap3A_62 = arith.constant 32 : index
    %swap3A_63 = tpu.vector_load %arg7[%swap3A_61, %swap3A_62] {strides = array<i32>} : memref<4x128xi32, #tpu.memory_space<vmem>>, vector<16xi32>,
    tpu.vector_store %arg7[%swap3A_61, %swap3A_62], %select_n3A_59 {strides = array<i32>} : memref<4x128xi32, #tpu.memory_space<vmem>>, vector<16xi32>,
    %get3A_64 = arith.constant 0 : i32
    %get3A_65 = arith.index_cast %get3A_64 : i32 to index
    %get3A_66 = arith.constant 48 : index
    %get3A_67 = tpu.vector_load %arg6[%get3A_65, %get3A_66] {strides = array<i32>} : memref<4x128xi32, #tpu.memory_space<vmem>>, vector<16xi32>,
    %add3A_68 = arith.constant 0 : i32
    %add3A_69 = arith.addi %mul3A_2, %add3A_68 : i32
    %add3A_70 = arith.constant 48 : i32
    %add3A_71 = arith.addi %add3A_69, %add3A_70 : i32
    %add3A_72 = vector.broadcast %add3A_71 : i32 to vector<16xi32>
    %add3A_73 = arith.addi %iota3A, %add3A_72 : vector<16xi32>
    %lt3A_74 = arith.constant 16384 : i32
    %lt3A_75 = vector.broadcast %lt3A_74 : i32 to vector<16xi32>
    %lt3A_76 = arith.cmpi slt, %get3A_67, %lt3A_75 : vector<16xi32>
    %select_n3A_77 = arith.select %lt3A_76, %get3A_67, %add3A_73 : vector<16xi1>, vector<16xi32>
    %swap3A_78 = arith.constant 0 : i32
    %swap3A_79 = arith.index_cast %swap3A_78 : i32 to index
    %swap3A_80 = arith.constant 48 : index
    %swap3A_81 = tpu.vector_load %arg7[%swap3A_79, %swap3A_80] {strides = array<i32>} : memref<4x128xi32, #tpu.memory_space<vmem>>, vector<16xi32>,
    tpu.vector_store %arg7[%swap3A_79, %swap3A_80], %select_n3A_77 {strides = array<i32>} : memref<4x128xi32, #tpu.memory_space<vmem>>, vector<16xi32>,
    %get3A_82 = arith.constant 0 : i32
    %get3A_83 = arith.index_cast %get3A_82 : i32 to index
    %get3A_84 = arith.constant 64 : index
    %get3A_85 = tpu.vector_load %arg6[%get3A_83, %get3A_84] {strides = array<i32>} : memref<4x128xi32, #tpu.memory_space<vmem>>, vector<16xi32>,
    %add3A_86 = arith.constant 0 : i32
    %add3A_87 = arith.addi %mul3A_2, %add3A_86 : i32
    %add3A_88 = arith.constant 64 : i32
    %add3A_89 = arith.addi %add3A_87, %add3A_88 : i32
    %add3A_90 = vector.broadcast %add3A_89 : i32 to vector<16xi32>
    %add3A_91 = arith.addi %iota3A, %add3A_90 : vector<16xi32>
    %lt3A_92 = arith.constant 16384 : i32
    %lt3A_93 = vector.broadcast %lt3A_92 : i32 to vector<16xi32>
    %lt3A_94 = arith.cmpi slt, %get3A_85, %lt3A_93 : vector<16xi32>
    %select_n3A_95 = arith.select %lt3A_94, %get3A_85, %add3A_91 : vector<16xi1>, vector<16xi32>
    %swap3A_96 = arith.constant 0 : i32
    %swap3A_97 = arith.index_cast %swap3A_96 : i32 to index
    %swap3A_98 = arith.constant 64 : index
    %swap3A_99 = tpu.vector_load %arg7[%swap3A_97, %swap3A_98] {strides = array<i32>} : memref<4x128xi32, #tpu.memory_space<vmem>>, vector<16xi32>,
    tpu.vector_store %arg7[%swap3A_97, %swap3A_98], %select_n3A_95 {strides = array<i32>} : memref<4x128xi32, #tpu.memory_space<vmem>>, vector<16xi32>,
    %get3A_100 = arith.constant 0 : i32
    %get3A_101 = arith.index_cast %get3A_100 : i32 to index
    %get3A_102 = arith.constant 80 : index
    %get3A_103 = tpu.vector_load %arg6[%get3A_101, %get3A_102] {strides = array<i32>} : memref<4x128xi32, #tpu.memory_space<vmem>>, vector<16xi32>,
    %add3A_104 = arith.constant 0 : i32
    %add3A_105 = arith.addi %mul3A_2, %add3A_104 : i32
    %add3A_106 = arith.constant 80 : i32
    %add3A_107 = arith.addi %add3A_105, %add3A_106 : i32
    %add3A_108 = vector.broadcast %add3A_107 : i32 to vector<16xi32>
    %add3A_109 = arith.addi %iota3A, %add3A_108 : vector<16xi32>
    %lt3A_110 = arith.constant 16384 : i32
    %lt3A_111 = vector.broadcast %lt3A_110 : i32 to vector<16xi32>
    %lt3A_112 = arith.cmpi slt, %get3A_103, %lt3A_111 : vector<16xi32>
    %select_n3A_113 = arith.select %lt3A_112, %get3A_103, %add3A_109 : vector<16xi1>, vector<16xi32>
    %swap3A_114 = arith.constant 0 : i32
    %swap3A_115 = arith.index_cast %swap3A_114 : i32 to index
    %swap3A_116 = arith.constant 80 : index
    %swap3A_117 = tpu.vector_load %arg7[%swap3A_115, %swap3A_116] {strides = array<i32>} : memref<4x128xi32, #tpu.memory_space<vmem>>, vector<16xi32>,
    tpu.vector_store %arg7[%swap3A_115, %swap3A_116], %select_n3A_113 {strides = array<i32>} : memref<4x128xi32, #tpu.memory_space<vmem>>, vector<16xi32>,
    %get3A_118 = arith.constant 0 : i32
    %get3A_119 = arith.index_cast %get3A_118 : i32 to index
    %get3A_120 = arith.constant 96 : index
    %get3A_121 = tpu.vector_load %arg6[%get3A_119, %get3A_120] {strides = array<i32>} : memref<4x128xi32, #tpu.memory_space<vmem>>, vector<16xi32>,
    %add3A_122 = arith.constant 0 : i32
    %add3A_123 = arith.addi %mul3A_2, %add3A_122 : i32
    %add3A_124 = arith.constant 96 : i32
    %add3A_125 = arith.addi %add3A_123, %add3A_124 : i32
    %add3A_126 = vector.broadcast %add3A_125 : i32 to vector<16xi32>
    %add3A_127 = arith.addi %iota3A, %add3A_126 : vector<16xi32>
    %lt3A_128 = arith.constant 16384 : i32
    %lt3A_129 = vector.broadcast %lt3A_128 : i32 to vector<16xi32>
    %lt3A_130 = arith.cmpi slt, %get3A_121, %lt3A_129 : vector<16xi32>
    %select_n3A_131 = arith.select %lt3A_130, %get3A_121, %add3A_127 : vector<16xi1>, vector<16xi32>
    %swap3A_132 = arith.constant 0 : i32
    %swap3A_133 = arith.index_cast %swap3A_132 : i32 to index
    %swap3A_134 = arith.constant 96 : index
    %swap3A_135 = tpu.vector_load %arg7[%swap3A_133, %swap3A_134] {strides = array<i32>} : memref<4x128xi32, #tpu.memory_space<vmem>>, vector<16xi32>,
    tpu.vector_store %arg7[%swap3A_133, %swap3A_134], %select_n3A_131 {strides = array<i32>} : memref<4x128xi32, #tpu.memory_space<vmem>>, vector<16xi32>,
    %get3A_136 = arith.constant 0 : i32
    %get3A_137 = arith.index_cast %get3A_136 : i32 to index
    %get3A_138 = arith.constant 112 : index
    %get3A_139 = tpu.vector_load %arg6[%get3A_137, %get3A_138] {strides = array<i32>} : memref<4x128xi32, #tpu.memory_space<vmem>>, vector<16xi32>,
    %add3A_140 = arith.constant 0 : i32
    %add3A_141 = arith.addi %mul3A_2, %add3A_140 : i32
    %add3A_142 = arith.constant 112 : i32
    %add3A_143 = arith.addi %add3A_141, %add3A_142 : i32
    %add3A_144 = vector.broadcast %add3A_143 : i32 to vector<16xi32>
    %add3A_145 = arith.addi %iota3A, %add3A_144 : vector<16xi32>
    %lt3A_146 = arith.constant 16384 : i32
    %lt3A_147 = vector.broadcast %lt3A_146 : i32 to vector<16xi32>
    %lt3A_148 = arith.cmpi slt, %get3A_139, %lt3A_147 : vector<16xi32>
    %select_n3A_149 = arith.select %lt3A_148, %get3A_139, %add3A_145 : vector<16xi1>, vector<16xi32>
    %swap3A_150 = arith.constant 0 : i32
    %swap3A_151 = arith.index_cast %swap3A_150 : i32 to index
    %swap3A_152 = arith.constant 112 : index
    %swap3A_153 = tpu.vector_load %arg7[%swap3A_151, %swap3A_152] {strides = array<i32>} : memref<4x128xi32, #tpu.memory_space<vmem>>, vector<16xi32>,
    tpu.vector_store %arg7[%swap3A_151, %swap3A_152], %select_n3A_149 {strides = array<i32>} : memref<4x128xi32, #tpu.memory_space<vmem>>, vector<16xi32>,
    %get3A_154 = arith.constant 1 : i32
    %get3A_155 = arith.index_cast %get3A_154 : i32 to index
    %get3A_156 = arith.constant 0 : index
    %get3A_157 = tpu.vector_load %arg6[%get3A_155, %get3A_156] {strides = array<i32>} : memref<4x128xi32, #tpu.memory_space<vmem>>, vector<16xi32>,
    %add3A_158 = arith.constant 128 : i32
    %add3A_159 = arith.addi %mul3A_2, %add3A_158 : i32
    %add3A_160 = arith.constant 0 : i32
    %add3A_161 = arith.addi %add3A_159, %add3A_160 : i32
    %add3A_162 = vector.broadcast %add3A_161 : i32 to vector<16xi32>
    %add3A_163 = arith.addi %iota3A, %add3A_162 : vector<16xi32>
    %lt3A_164 = arith.constant 16384 : i32
    %lt3A_165 = vector.broadcast %lt3A_164 : i32 to vector<16xi32>
    %lt3A_166 = arith.cmpi slt, %get3A_157, %lt3A_165 : vector<16xi32>
    %select_n3A_167 = arith.select %lt3A_166, %get3A_157, %add3A_163 : vector<16xi1>, vector<16xi32>
    %swap3A_168 = arith.constant 1 : i32
    %swap3A_169 = arith.index_cast %swap3A_168 : i32 to index
    %swap3A_170 = arith.constant 0 : index
    %swap3A_171 = tpu.vector_load %arg7[%swap3A_169, %swap3A_170] {strides = array<i32>} : memref<4x128xi32, #tpu.memory_space<vmem>>, vector<16xi32>,
    tpu.vector_store %arg7[%swap3A_169, %swap3A_170], %select_n3A_167 {strides = array<i32>} : memref<4x128xi32, #tpu.memory_space<vmem>>, vector<16xi32>,
    %get3A_172 = arith.constant 1 : i32
    %get3A_173 = arith.index_cast %get3A_172 : i32 to index
    %get3A_174 = arith.constant 16 : index
    %get3A_175 = tpu.vector_load %arg6[%get3A_173, %get3A_174] {strides = array<i32>} : memref<4x128xi32, #tpu.memory_space<vmem>>, vector<16xi32>,
    %add3A_176 = arith.constant 128 : i32
    %add3A_177 = arith.addi %mul3A_2, %add3A_176 : i32
    %add3A_178 = arith.constant 16 : i32
    %add3A_179 = arith.addi %add3A_177, %add3A_178 : i32
    %add3A_180 = vector.broadcast %add3A_179 : i32 to vector<16xi32>
    %add3A_181 = arith.addi %iota3A, %add3A_180 : vector<16xi32>
    %lt3A_182 = arith.constant 16384 : i32
    %lt3A_183 = vector.broadcast %lt3A_182 : i32 to vector<16xi32>
    %lt3A_184 = arith.cmpi slt, %get3A_175, %lt3A_183 : vector<16xi32>
    %select_n3A_185 = arith.select %lt3A_184, %get3A_175, %add3A_181 : vector<16xi1>, vector<16xi32>
    %swap3A_186 = arith.constant 1 : i32
    %swap3A_187 = arith.index_cast %swap3A_186 : i32 to index
    %swap3A_188 = arith.constant 16 : index
    %swap3A_189 = tpu.vector_load %arg7[%swap3A_187, %swap3A_188] {strides = array<i32>} : memref<4x128xi32, #tpu.memory_space<vmem>>, vector<16xi32>,
    tpu.vector_store %arg7[%swap3A_187, %swap3A_188], %select_n3A_185 {strides = array<i32>} : memref<4x128xi32, #tpu.memory_space<vmem>>, vector<16xi32>,
    %get3A_190 = arith.constant 1 : i32
    %get3A_191 = arith.index_cast %get3A_190 : i32 to index
    %get3A_192 = arith.constant 32 : index
    %get3A_193 = tpu.vector_load %arg6[%get3A_191, %get3A_192] {strides = array<i32>} : memref<4x128xi32, #tpu.memory_space<vmem>>, vector<16xi32>,
    %add3A_194 = arith.constant 128 : i32
    %add3A_195 = arith.addi %mul3A_2, %add3A_194 : i32
    %add3A_196 = arith.constant 32 : i32
    %add3A_197 = arith.addi %add3A_195, %add3A_196 : i32
    %add3A_198 = vector.broadcast %add3A_197 : i32 to vector<16xi32>
    %add3A_199 = arith.addi %iota3A, %add3A_198 : vector<16xi32>
    %lt3A_200 = arith.constant 16384 : i32
    %lt3A_201 = vector.broadcast %lt3A_200 : i32 to vector<16xi32>
    %lt3A_202 = arith.cmpi slt, %get3A_193, %lt3A_201 : vector<16xi32>
    %select_n3A_203 = arith.select %lt3A_202, %get3A_193, %add3A_199 : vector<16xi1>, vector<16xi32>
    %swap3A_204 = arith.constant 1 : i32
    %swap3A_205 = arith.index_cast %swap3A_204 : i32 to index
    %swap3A_206 = arith.constant 32 : index
    %swap3A_207 = tpu.vector_load %arg7[%swap3A_205, %swap3A_206] {strides = array<i32>} : memref<4x128xi32, #tpu.memory_space<vmem>>, vector<16xi32>,
    tpu.vector_store %arg7[%swap3A_205, %swap3A_206], %select_n3A_203 {strides = array<i32>} : memref<4x128xi32, #tpu.memory_space<vmem>>, vector<16xi32>,
    %get3A_208 = arith.constant 1 : i32
    %get3A_209 = arith.index_cast %get3A_208 : i32 to index
    %get3A_210 = arith.constant 48 : index
    %get3A_211 = tpu.vector_load %arg6[%get3A_209, %get3A_210] {strides = array<i32>} : memref<4x128xi32, #tpu.memory_space<vmem>>, vector<16xi32>,
    %add3A_212 = arith.constant 128 : i32
    %add3A_213 = arith.addi %mul3A_2, %add3A_212 : i32
    %add3A_214 = arith.constant 48 : i32
    %add3A_215 = arith.addi %add3A_213, %add3A_214 : i32
    %add3A_216 = vector.broadcast %add3A_215 : i32 to vector<16xi32>
    %add3A_217 = arith.addi %iota3A, %add3A_216 : vector<16xi32>
    %lt3A_218 = arith.constant 16384 : i32
    %lt3A_219 = vector.broadcast %lt3A_218 : i32 to vector<16xi32>
    %lt3A_220 = arith.cmpi slt, %get3A_211, %lt3A_219 : vector<16xi32>
    %select_n3A_221 = arith.select %lt3A_220, %get3A_211, %add3A_217 : vector<16xi1>, vector<16xi32>
    %swap3A_222 = arith.constant 1 : i32
    %swap3A_223 = arith.index_cast %swap3A_222 : i32 to index
    %swap3A_224 = arith.constant 48 : index
    %swap3A_225 = tpu.vector_load %arg7[%swap3A_223, %swap3A_224] {strides = array<i32>} : memref<4x128xi32, #tpu.memory_space<vmem>>, vector<16xi32>,
    tpu.vector_store %arg7[%swap3A_223, %swap3A_224], %select_n3A_221 {strides = array<i32>} : memref<4x128xi32, #tpu.memory_space<vmem>>, vector<16xi32>,
    %get3A_226 = arith.constant 1 : i32
    %get3A_227 = arith.index_cast %get3A_226 : i32 to index
    %get3A_228 = arith.constant 64 : index
    %get3A_229 = tpu.vector_load %arg6[%get3A_227, %get3A_228] {strides = array<i32>} : memref<4x128xi32, #tpu.memory_space<vmem>>, vector<16xi32>,
    %add3A_230 = arith.constant 128 : i32
    %add3A_231 = arith.addi %mul3A_2, %add3A_230 : i32
    %add3A_232 = arith.constant 64 : i32
    %add3A_233 = arith.addi %add3A_231, %add3A_232 : i32
    %add3A_234 = vector.broadcast %add3A_233 : i32 to vector<16xi32>
    %add3A_235 = arith.addi %iota3A, %add3A_234 : vector<16xi32>
    %lt3A_236 = arith.constant 16384 : i32
    %lt3A_237 = vector.broadcast %lt3A_236 : i32 to vector<16xi32>
    %lt3A_238 = arith.cmpi slt, %get3A_229, %lt3A_237 : vector<16xi32>
    %select_n3A_239 = arith.select %lt3A_238, %get3A_229, %add3A_235 : vector<16xi1>, vector<16xi32>
    %swap3A_240 = arith.constant 1 : i32
    %swap3A_241 = arith.index_cast %swap3A_240 : i32 to index
    %swap3A_242 = arith.constant 64 : index
    %swap3A_243 = tpu.vector_load %arg7[%swap3A_241, %swap3A_242] {strides = array<i32>} : memref<4x128xi32, #tpu.memory_space<vmem>>, vector<16xi32>,
    tpu.vector_store %arg7[%swap3A_241, %swap3A_242], %select_n3A_239 {strides = array<i32>} : memref<4x128xi32, #tpu.memory_space<vmem>>, vector<16xi32>,
    %get3A_244 = arith.constant 1 : i32
    %get3A_245 = arith.index_cast %get3A_244 : i32 to index
    %get3A_246 = arith.constant 80 : index
    %get3A_247 = tpu.vector_load %arg6[%get3A_245, %get3A_246] {strides = array<i32>} : memref<4x128xi32, #tpu.memory_space<vmem>>, vector<16xi32>,
    %add3A_248 = arith.constant 128 : i32
    %add3A_249 = arith.addi %mul3A_2, %add3A_248 : i32
    %add3A_250 = arith.constant 80 : i32
    %add3A_251 = arith.addi %add3A_249, %add3A_250 : i32
    %add3A_252 = vector.broadcast %add3A_251 : i32 to vector<16xi32>
    %add3A_253 = arith.addi %iota3A, %add3A_252 : vector<16xi32>
    %lt3A_254 = arith.constant 16384 : i32
    %lt3A_255 = vector.broadcast %lt3A_254 : i32 to vector<16xi32>
    %lt3A_256 = arith.cmpi slt, %get3A_247, %lt3A_255 : vector<16xi32>
    %select_n3A_257 = arith.select %lt3A_256, %get3A_247, %add3A_253 : vector<16xi1>, vector<16xi32>
    %swap3A_258 = arith.constant 1 : i32
    %swap3A_259 = arith.index_cast %swap3A_258 : i32 to index
    %swap3A_260 = arith.constant 80 : index
    %swap3A_261 = tpu.vector_load %arg7[%swap3A_259, %swap3A_260] {strides = array<i32>} : memref<4x128xi32, #tpu.memory_space<vmem>>, vector<16xi32>,
    tpu.vector_store %arg7[%swap3A_259, %swap3A_260], %select_n3A_257 {strides = array<i32>} : memref<4x128xi32, #tpu.memory_space<vmem>>, vector<16xi32>,
    %get3A_262 = arith.constant 1 : i32
    %get3A_263 = arith.index_cast %get3A_262 : i32 to index
    %get3A_264 = arith.constant 96 : index
    %get3A_265 = tpu.vector_load %arg6[%get3A_263, %get3A_264] {strides = array<i32>} : memref<4x128xi32, #tpu.memory_space<vmem>>, vector<16xi32>,
    %add3A_266 = arith.constant 128 : i32
    %add3A_267 = arith.addi %mul3A_2, %add3A_266 : i32
    %add3A_268 = arith.constant 96 : i32
    %add3A_269 = arith.addi %add3A_267, %add3A_268 : i32
    %add3A_270 = vector.broadcast %add3A_269 : i32 to vector<16xi32>
    %add3A_271 = arith.addi %iota3A, %add3A_270 : vector<16xi32>
    %lt3A_272 = arith.constant 16384 : i32
    %lt3A_273 = vector.broadcast %lt3A_272 : i32 to vector<16xi32>
    %lt3A_274 = arith.cmpi slt, %get3A_265, %lt3A_273 : vector<16xi32>
    %select_n3A_275 = arith.select %lt3A_274, %get3A_265, %add3A_271 : vector<16xi1>, vector<16xi32>
    %swap3A_276 = arith.constant 1 : i32
    %swap3A_277 = arith.index_cast %swap3A_276 : i32 to index
    %swap3A_278 = arith.constant 96 : index
    %swap3A_279 = tpu.vector_load %arg7[%swap3A_277, %swap3A_278] {strides = array<i32>} : memref<4x128xi32, #tpu.memory_space<vmem>>, vector<16xi32>,
    tpu.vector_store %arg7[%swap3A_277, %swap3A_278], %select_n3A_275 {strides = array<i32>} : memref<4x128xi32, #tpu.memory_space<vmem>>, vector<16xi32>,
    %get3A_280 = arith.constant 1 : i32
    %get3A_281 = arith.index_cast %get3A_280 : i32 to index
    %get3A_282 = arith.constant 112 : index
    %get3A_283 = tpu.vector_load %arg6[%get3A_281, %get3A_282] {strides = array<i32>} : memref<4x128xi32, #tpu.memory_space<vmem>>, vector<16xi32>,
    %add3A_284 = arith.constant 128 : i32
    %add3A_285 = arith.addi %mul3A_2, %add3A_284 : i32
    %add3A_286 = arith.constant 112 : i32
    %add3A_287 = arith.addi %add3A_285, %add3A_286 : i32
    %add3A_288 = vector.broadcast %add3A_287 : i32 to vector<16xi32>
    %add3A_289 = arith.addi %iota3A, %add3A_288 : vector<16xi32>
    %lt3A_290 = arith.constant 16384 : i32
    %lt3A_291 = vector.broadcast %lt3A_290 : i32 to vector<16xi32>
    %lt3A_292 = arith.cmpi slt, %get3A_283, %lt3A_291 : vector<16xi32>
    %select_n3A_293 = arith.select %lt3A_292, %get3A_283, %add3A_289 : vector<16xi1>, vector<16xi32>
    %swap3A_294 = arith.constant 1 : i32
    %swap3A_295 = arith.index_cast %swap3A_294 : i32 to index
    %swap3A_296 = arith.constant 112 : index
    %swap3A_297 = tpu.vector_load %arg7[%swap3A_295, %swap3A_296] {strides = array<i32>} : memref<4x128xi32, #tpu.memory_space<vmem>>, vector<16xi32>,
    tpu.vector_store %arg7[%swap3A_295, %swap3A_296], %select_n3A_293 {strides = array<i32>} : memref<4x128xi32, #tpu.memory_space<vmem>>, vector<16xi32>,
    %get3A_298 = arith.constant 2 : i32
    %get3A_299 = arith.index_cast %get3A_298 : i32 to index
    %get3A_300 = arith.constant 0 : index
    %get3A_301 = tpu.vector_load %arg6[%get3A_299, %get3A_300] {strides = array<i32>} : memref<4x128xi32, #tpu.memory_space<vmem>>, vector<16xi32>,
    %add3A_302 = arith.constant 256 : i32
    %add3A_303 = arith.addi %mul3A_2, %add3A_302 : i32
    %add3A_304 = arith.constant 0 : i32
    %add3A_305 = arith.addi %add3A_303, %add3A_304 : i32
    %add3A_306 = vector.broadcast %add3A_305 : i32 to vector<16xi32>
    %add3A_307 = arith.addi %iota3A, %add3A_306 : vector<16xi32>
    %lt3A_308 = arith.constant 16384 : i32
    %lt3A_309 = vector.broadcast %lt3A_308 : i32 to vector<16xi32>
    %lt3A_310 = arith.cmpi slt, %get3A_301, %lt3A_309 : vector<16xi32>
    %select_n3A_311 = arith.select %lt3A_310, %get3A_301, %add3A_307 : vector<16xi1>, vector<16xi32>
    %swap3A_312 = arith.constant 2 : i32
    %swap3A_313 = arith.index_cast %swap3A_312 : i32 to index
    %swap3A_314 = arith.constant 0 : index
    %swap3A_315 = tpu.vector_load %arg7[%swap3A_313, %swap3A_314] {strides = array<i32>} : memref<4x128xi32, #tpu.memory_space<vmem>>, vector<16xi32>,
    tpu.vector_store %arg7[%swap3A_313, %swap3A_314], %select_n3A_311 {strides = array<i32>} : memref<4x128xi32, #tpu.memory_space<vmem>>, vector<16xi32>,
    %get3A_316 = arith.constant 2 : i32
    %get3A_317 = arith.index_cast %get3A_316 : i32 to index
    %get3A_318 = arith.constant 16 : index
    %get3A_319 = tpu.vector_load %arg6[%get3A_317, %get3A_318] {strides = array<i32>} : memref<4x128xi32, #tpu.memory_space<vmem>>, vector<16xi32>,
    %add3A_320 = arith.constant 256 : i32
    %add3A_321 = arith.addi %mul3A_2, %add3A_320 : i32
    %add3A_322 = arith.constant 16 : i32
    %add3A_323 = arith.addi %add3A_321, %add3A_322 : i32
    %add3A_324 = vector.broadcast %add3A_323 : i32 to vector<16xi32>
    %add3A_325 = arith.addi %iota3A, %add3A_324 : vector<16xi32>
    %lt3A_326 = arith.constant 16384 : i32
    %lt3A_327 = vector.broadcast %lt3A_326 : i32 to vector<16xi32>
    %lt3A_328 = arith.cmpi slt, %get3A_319, %lt3A_327 : vector<16xi32>
    %select_n3A_329 = arith.select %lt3A_328, %get3A_319, %add3A_325 : vector<16xi1>, vector<16xi32>
    %swap3A_330 = arith.constant 2 : i32
    %swap3A_331 = arith.index_cast %swap3A_330 : i32 to index
    %swap3A_332 = arith.constant 16 : index
    %swap3A_333 = tpu.vector_load %arg7[%swap3A_331, %swap3A_332] {strides = array<i32>} : memref<4x128xi32, #tpu.memory_space<vmem>>, vector<16xi32>,
    tpu.vector_store %arg7[%swap3A_331, %swap3A_332], %select_n3A_329 {strides = array<i32>} : memref<4x128xi32, #tpu.memory_space<vmem>>, vector<16xi32>,
    %get3A_334 = arith.constant 2 : i32
    %get3A_335 = arith.index_cast %get3A_334 : i32 to index
    %get3A_336 = arith.constant 32 : index
    %get3A_337 = tpu.vector_load %arg6[%get3A_335, %get3A_336] {strides = array<i32>} : memref<4x128xi32, #tpu.memory_space<vmem>>, vector<16xi32>,
    %add3A_338 = arith.constant 256 : i32
    %add3A_339 = arith.addi %mul3A_2, %add3A_338 : i32
    %add3A_340 = arith.constant 32 : i32
    %add3A_341 = arith.addi %add3A_339, %add3A_340 : i32
    %add3A_342 = vector.broadcast %add3A_341 : i32 to vector<16xi32>
    %add3A_343 = arith.addi %iota3A, %add3A_342 : vector<16xi32>
    %lt3A_344 = arith.constant 16384 : i32
    %lt3A_345 = vector.broadcast %lt3A_344 : i32 to vector<16xi32>
    %lt3A_346 = arith.cmpi slt, %get3A_337, %lt3A_345 : vector<16xi32>
    %select_n3A_347 = arith.select %lt3A_346, %get3A_337, %add3A_343 : vector<16xi1>, vector<16xi32>
    %swap3A_348 = arith.constant 2 : i32
    %swap3A_349 = arith.index_cast %swap3A_348 : i32 to index
    %swap3A_350 = arith.constant 32 : index
    %swap3A_351 = tpu.vector_load %arg7[%swap3A_349, %swap3A_350] {strides = array<i32>} : memref<4x128xi32, #tpu.memory_space<vmem>>, vector<16xi32>,
    tpu.vector_store %arg7[%swap3A_349, %swap3A_350], %select_n3A_347 {strides = array<i32>} : memref<4x128xi32, #tpu.memory_space<vmem>>, vector<16xi32>,
    %get3A_352 = arith.constant 2 : i32
    %get3A_353 = arith.index_cast %get3A_352 : i32 to index
    %get3A_354 = arith.constant 48 : index
    %get3A_355 = tpu.vector_load %arg6[%get3A_353, %get3A_354] {strides = array<i32>} : memref<4x128xi32, #tpu.memory_space<vmem>>, vector<16xi32>,
    %add3A_356 = arith.constant 256 : i32
    %add3A_357 = arith.addi %mul3A_2, %add3A_356 : i32
    %add3A_358 = arith.constant 48 : i32
    %add3A_359 = arith.addi %add3A_357, %add3A_358 : i32
    %add3A_360 = vector.broadcast %add3A_359 : i32 to vector<16xi32>
    %add3A_361 = arith.addi %iota3A, %add3A_360 : vector<16xi32>
    %lt3A_362 = arith.constant 16384 : i32
    %lt3A_363 = vector.broadcast %lt3A_362 : i32 to vector<16xi32>
    %lt3A_364 = arith.cmpi slt, %get3A_355, %lt3A_363 : vector<16xi32>
    %select_n3A_365 = arith.select %lt3A_364, %get3A_355, %add3A_361 : vector<16xi1>, vector<16xi32>
    %swap3A_366 = arith.constant 2 : i32
    %swap3A_367 = arith.index_cast %swap3A_366 : i32 to index
    %swap3A_368 = arith.constant 48 : index
    %swap3A_369 = tpu.vector_load %arg7[%swap3A_367, %swap3A_368] {strides = array<i32>} : memref<4x128xi32, #tpu.memory_space<vmem>>, vector<16xi32>,
    tpu.vector_store %arg7[%swap3A_367, %swap3A_368], %select_n3A_365 {strides = array<i32>} : memref<4x128xi32, #tpu.memory_space<vmem>>, vector<16xi32>,
    %get3A_370 = arith.constant 2 : i32
    %get3A_371 = arith.index_cast %get3A_370 : i32 to index
    %get3A_372 = arith.constant 64 : index
    %get3A_373 = tpu.vector_load %arg6[%get3A_371, %get3A_372] {strides = array<i32>} : memref<4x128xi32, #tpu.memory_space<vmem>>, vector<16xi32>,
    %add3A_374 = arith.constant 256 : i32
    %add3A_375 = arith.addi %mul3A_2, %add3A_374 : i32
    %add3A_376 = arith.constant 64 : i32
    %add3A_377 = arith.addi %add3A_375, %add3A_376 : i32
    %add3A_378 = vector.broadcast %add3A_377 : i32 to vector<16xi32>
    %add3A_379 = arith.addi %iota3A, %add3A_378 : vector<16xi32>
    %lt3A_380 = arith.constant 16384 : i32
    %lt3A_381 = vector.broadcast %lt3A_380 : i32 to vector<16xi32>
    %lt3A_382 = arith.cmpi slt, %get3A_373, %lt3A_381 : vector<16xi32>
    %select_n3A_383 = arith.select %lt3A_382, %get3A_373, %add3A_379 : vector<16xi1>, vector<16xi32>
    %swap3A_384 = arith.constant 2 : i32
    %swap3A_385 = arith.index_cast %swap3A_384 : i32 to index
    %swap3A_386 = arith.constant 64 : index
    %swap3A_387 = tpu.vector_load %arg7[%swap3A_385, %swap3A_386] {strides = array<i32>} : memref<4x128xi32, #tpu.memory_space<vmem>>, vector<16xi32>,
    tpu.vector_store %arg7[%swap3A_385, %swap3A_386], %select_n3A_383 {strides = array<i32>} : memref<4x128xi32, #tpu.memory_space<vmem>>, vector<16xi32>,
    %get3A_388 = arith.constant 2 : i32
    %get3A_389 = arith.index_cast %get3A_388 : i32 to index
    %get3A_390 = arith.constant 80 : index
    %get3A_391 = tpu.vector_load %arg6[%get3A_389, %get3A_390] {strides = array<i32>} : memref<4x128xi32, #tpu.memory_space<vmem>>, vector<16xi32>,
    %add3A_392 = arith.constant 256 : i32
    %add3A_393 = arith.addi %mul3A_2, %add3A_392 : i32
    %add3A_394 = arith.constant 80 : i32
    %add3A_395 = arith.addi %add3A_393, %add3A_394 : i32
    %add3A_396 = vector.broadcast %add3A_395 : i32 to vector<16xi32>
    %add3A_397 = arith.addi %iota3A, %add3A_396 : vector<16xi32>
    %lt3A_398 = arith.constant 16384 : i32
    %lt3A_399 = vector.broadcast %lt3A_398 : i32 to vector<16xi32>
    %lt3A_400 = arith.cmpi slt, %get3A_391, %lt3A_399 : vector<16xi32>
    %select_n3A_401 = arith.select %lt3A_400, %get3A_391, %add3A_397 : vector<16xi1>, vector<16xi32>
    %swap3A_402 = arith.constant 2 : i32
    %swap3A_403 = arith.index_cast %swap3A_402 : i32 to index
    %swap3A_404 = arith.constant 80 : index
    %swap3A_405 = tpu.vector_load %arg7[%swap3A_403, %swap3A_404] {strides = array<i32>} : memref<4x128xi32, #tpu.memory_space<vmem>>, vector<16xi32>,
    tpu.vector_store %arg7[%swap3A_403, %swap3A_404], %select_n3A_401 {strides = array<i32>} : memref<4x128xi32, #tpu.memory_space<vmem>>, vector<16xi32>,
    %get3A_406 = arith.constant 2 : i32
    %get3A_407 = arith.index_cast %get3A_406 : i32 to index
    %get3A_408 = arith.constant 96 : index
    %get3A_409 = tpu.vector_load %arg6[%get3A_407, %get3A_408] {strides = array<i32>} : memref<4x128xi32, #tpu.memory_space<vmem>>, vector<16xi32>,
    %add3A_410 = arith.constant 256 : i32
    %add3A_411 = arith.addi %mul3A_2, %add3A_410 : i32
    %add3A_412 = arith.constant 96 : i32
    %add3A_413 = arith.addi %add3A_411, %add3A_412 : i32
    %add3A_414 = vector.broadcast %add3A_413 : i32 to vector<16xi32>
    %add3A_415 = arith.addi %iota3A, %add3A_414 : vector<16xi32>
    %lt3A_416 = arith.constant 16384 : i32
    %lt3A_417 = vector.broadcast %lt3A_416 : i32 to vector<16xi32>
    %lt3A_418 = arith.cmpi slt, %get3A_409, %lt3A_417 : vector<16xi32>
    %select_n3A_419 = arith.select %lt3A_418, %get3A_409, %add3A_415 : vector<16xi1>, vector<16xi32>
    %swap3A_420 = arith.constant 2 : i32
    %swap3A_421 = arith.index_cast %swap3A_420 : i32 to index
    %swap3A_422 = arith.constant 96 : index
    %swap3A_423 = tpu.vector_load %arg7[%swap3A_421, %swap3A_422] {strides = array<i32>} : memref<4x128xi32, #tpu.memory_space<vmem>>, vector<16xi32>,
    tpu.vector_store %arg7[%swap3A_421, %swap3A_422], %select_n3A_419 {strides = array<i32>} : memref<4x128xi32, #tpu.memory_space<vmem>>, vector<16xi32>,
    %get3A_424 = arith.constant 2 : i32
    %get3A_425 = arith.index_cast %get3A_424 : i32 to index
    %get3A_426 = arith.constant 112 : index
    %get3A_427 = tpu.vector_load %arg6[%get3A_425, %get3A_426] {strides = array<i32>} : memref<4x128xi32, #tpu.memory_space<vmem>>, vector<16xi32>,
    %add3A_428 = arith.constant 256 : i32
    %add3A_429 = arith.addi %mul3A_2, %add3A_428 : i32
    %add3A_430 = arith.constant 112 : i32
    %add3A_431 = arith.addi %add3A_429, %add3A_430 : i32
    %add3A_432 = vector.broadcast %add3A_431 : i32 to vector<16xi32>
    %add3A_433 = arith.addi %iota3A, %add3A_432 : vector<16xi32>
    %lt3A_434 = arith.constant 16384 : i32
    %lt3A_435 = vector.broadcast %lt3A_434 : i32 to vector<16xi32>
    %lt3A_436 = arith.cmpi slt, %get3A_427, %lt3A_435 : vector<16xi32>
    %select_n3A_437 = arith.select %lt3A_436, %get3A_427, %add3A_433 : vector<16xi1>, vector<16xi32>
    %swap3A_438 = arith.constant 2 : i32
    %swap3A_439 = arith.index_cast %swap3A_438 : i32 to index
    %swap3A_440 = arith.constant 112 : index
    %swap3A_441 = tpu.vector_load %arg7[%swap3A_439, %swap3A_440] {strides = array<i32>} : memref<4x128xi32, #tpu.memory_space<vmem>>, vector<16xi32>,
    tpu.vector_store %arg7[%swap3A_439, %swap3A_440], %select_n3A_437 {strides = array<i32>} : memref<4x128xi32, #tpu.memory_space<vmem>>, vector<16xi32>,
    %get3A_442 = arith.constant 3 : i32
    %get3A_443 = arith.index_cast %get3A_442 : i32 to index
    %get3A_444 = arith.constant 0 : index
    %get3A_445 = tpu.vector_load %arg6[%get3A_443, %get3A_444] {strides = array<i32>} : memref<4x128xi32, #tpu.memory_space<vmem>>, vector<16xi32>,
    %add3A_446 = arith.constant 384 : i32
    %add3A_447 = arith.addi %mul3A_2, %add3A_446 : i32
    %add3A_448 = arith.constant 0 : i32
    %add3A_449 = arith.addi %add3A_447, %add3A_448 : i32
    %add3A_450 = vector.broadcast %add3A_449 : i32 to vector<16xi32>
    %add3A_451 = arith.addi %iota3A, %add3A_450 : vector<16xi32>
    %lt3A_452 = arith.constant 16384 : i32
    %lt3A_453 = vector.broadcast %lt3A_452 : i32 to vector<16xi32>
    %lt3A_454 = arith.cmpi slt, %get3A_445, %lt3A_453 : vector<16xi32>
    %select_n3A_455 = arith.select %lt3A_454, %get3A_445, %add3A_451 : vector<16xi1>, vector<16xi32>
    %swap3A_456 = arith.constant 3 : i32
    %swap3A_457 = arith.index_cast %swap3A_456 : i32 to index
    %swap3A_458 = arith.constant 0 : index
    %swap3A_459 = tpu.vector_load %arg7[%swap3A_457, %swap3A_458] {strides = array<i32>} : memref<4x128xi32, #tpu.memory_space<vmem>>, vector<16xi32>,
    tpu.vector_store %arg7[%swap3A_457, %swap3A_458], %select_n3A_455 {strides = array<i32>} : memref<4x128xi32, #tpu.memory_space<vmem>>, vector<16xi32>,
    %get3A_460 = arith.constant 3 : i32
    %get3A_461 = arith.index_cast %get3A_460 : i32 to index
    %get3A_462 = arith.constant 16 : index
    %get3A_463 = tpu.vector_load %arg6[%get3A_461, %get3A_462] {strides = array<i32>} : memref<4x128xi32, #tpu.memory_space<vmem>>, vector<16xi32>,
    %add3A_464 = arith.constant 384 : i32
    %add3A_465 = arith.addi %mul3A_2, %add3A_464 : i32
    %add3A_466 = arith.constant 16 : i32
    %add3A_467 = arith.addi %add3A_465, %add3A_466 : i32
    %add3A_468 = vector.broadcast %add3A_467 : i32 to vector<16xi32>
    %add3A_469 = arith.addi %iota3A, %add3A_468 : vector<16xi32>
    %lt3A_470 = arith.constant 16384 : i32
    %lt3A_471 = vector.broadcast %lt3A_470 : i32 to vector<16xi32>
    %lt3A_472 = arith.cmpi slt, %get3A_463, %lt3A_471 : vector<16xi32>
    %select_n3A_473 = arith.select %lt3A_472, %get3A_463, %add3A_469 : vector<16xi1>, vector<16xi32>
    %swap3A_474 = arith.constant 3 : i32
    %swap3A_475 = arith.index_cast %swap3A_474 : i32 to index
    %swap3A_476 = arith.constant 16 : index
    %swap3A_477 = tpu.vector_load %arg7[%swap3A_475, %swap3A_476] {strides = array<i32>} : memref<4x128xi32, #tpu.memory_space<vmem>>, vector<16xi32>,
    tpu.vector_store %arg7[%swap3A_475, %swap3A_476], %select_n3A_473 {strides = array<i32>} : memref<4x128xi32, #tpu.memory_space<vmem>>, vector<16xi32>,
    %get3A_478 = arith.constant 3 : i32
    %get3A_479 = arith.index_cast %get3A_478 : i32 to index
    %get3A_480 = arith.constant 32 : index
    %get3A_481 = tpu.vector_load %arg6[%get3A_479, %get3A_480] {strides = array<i32>} : memref<4x128xi32, #tpu.memory_space<vmem>>, vector<16xi32>,
    %add3A_482 = arith.constant 384 : i32
    %add3A_483 = arith.addi %mul3A_2, %add3A_482 : i32
    %add3A_484 = arith.constant 32 : i32
    %add3A_485 = arith.addi %add3A_483, %add3A_484 : i32
    %add3A_486 = vector.broadcast %add3A_485 : i32 to vector<16xi32>
    %add3A_487 = arith.addi %iota3A, %add3A_486 : vector<16xi32>
    %lt3A_488 = arith.constant 16384 : i32
    %lt3A_489 = vector.broadcast %lt3A_488 : i32 to vector<16xi32>
    %lt3A_490 = arith.cmpi slt, %get3A_481, %lt3A_489 : vector<16xi32>
    %select_n3A_491 = arith.select %lt3A_490, %get3A_481, %add3A_487 : vector<16xi1>, vector<16xi32>
    %swap3A_492 = arith.constant 3 : i32
    %swap3A_493 = arith.index_cast %swap3A_492 : i32 to index
    %swap3A_494 = arith.constant 32 : index
    %swap3A_495 = tpu.vector_load %arg7[%swap3A_493, %swap3A_494] {strides = array<i32>} : memref<4x128xi32, #tpu.memory_space<vmem>>, vector<16xi32>,
    tpu.vector_store %arg7[%swap3A_493, %swap3A_494], %select_n3A_491 {strides = array<i32>} : memref<4x128xi32, #tpu.memory_space<vmem>>, vector<16xi32>,
    %get3A_496 = arith.constant 3 : i32
    %get3A_497 = arith.index_cast %get3A_496 : i32 to index
    %get3A_498 = arith.constant 48 : index
    %get3A_499 = tpu.vector_load %arg6[%get3A_497, %get3A_498] {strides = array<i32>} : memref<4x128xi32, #tpu.memory_space<vmem>>, vector<16xi32>,
    %add3A_500 = arith.constant 384 : i32
    %add3A_501 = arith.addi %mul3A_2, %add3A_500 : i32
    %add3A_502 = arith.constant 48 : i32
    %add3A_503 = arith.addi %add3A_501, %add3A_502 : i32
    %add3A_504 = vector.broadcast %add3A_503 : i32 to vector<16xi32>
    %add3A_505 = arith.addi %iota3A, %add3A_504 : vector<16xi32>
    %lt3A_506 = arith.constant 16384 : i32
    %lt3A_507 = vector.broadcast %lt3A_506 : i32 to vector<16xi32>
    %lt3A_508 = arith.cmpi slt, %get3A_499, %lt3A_507 : vector<16xi32>
    %select_n3A_509 = arith.select %lt3A_508, %get3A_499, %add3A_505 : vector<16xi1>, vector<16xi32>
    %swap3A_510 = arith.constant 3 : i32
    %swap3A_511 = arith.index_cast %swap3A_510 : i32 to index
    %swap3A_512 = arith.constant 48 : index
    %swap3A_513 = tpu.vector_load %arg7[%swap3A_511, %swap3A_512] {strides = array<i32>} : memref<4x128xi32, #tpu.memory_space<vmem>>, vector<16xi32>,
    tpu.vector_store %arg7[%swap3A_511, %swap3A_512], %select_n3A_509 {strides = array<i32>} : memref<4x128xi32, #tpu.memory_space<vmem>>, vector<16xi32>,
    %get3A_514 = arith.constant 3 : i32
    %get3A_515 = arith.index_cast %get3A_514 : i32 to index
    %get3A_516 = arith.constant 64 : index
    %get3A_517 = tpu.vector_load %arg6[%get3A_515, %get3A_516] {strides = array<i32>} : memref<4x128xi32, #tpu.memory_space<vmem>>, vector<16xi32>,
    %add3A_518 = arith.constant 384 : i32
    %add3A_519 = arith.addi %mul3A_2, %add3A_518 : i32
    %add3A_520 = arith.constant 64 : i32
    %add3A_521 = arith.addi %add3A_519, %add3A_520 : i32
    %add3A_522 = vector.broadcast %add3A_521 : i32 to vector<16xi32>
    %add3A_523 = arith.addi %iota3A, %add3A_522 : vector<16xi32>
    %lt3A_524 = arith.constant 16384 : i32
    %lt3A_525 = vector.broadcast %lt3A_524 : i32 to vector<16xi32>
    %lt3A_526 = arith.cmpi slt, %get3A_517, %lt3A_525 : vector<16xi32>
    %select_n3A_527 = arith.select %lt3A_526, %get3A_517, %add3A_523 : vector<16xi1>, vector<16xi32>
    %swap3A_528 = arith.constant 3 : i32
    %swap3A_529 = arith.index_cast %swap3A_528 : i32 to index
    %swap3A_530 = arith.constant 64 : index
    %swap3A_531 = tpu.vector_load %arg7[%swap3A_529, %swap3A_530] {strides = array<i32>} : memref<4x128xi32, #tpu.memory_space<vmem>>, vector<16xi32>,
    tpu.vector_store %arg7[%swap3A_529, %swap3A_530], %select_n3A_527 {strides = array<i32>} : memref<4x128xi32, #tpu.memory_space<vmem>>, vector<16xi32>,
    %get3A_532 = arith.constant 3 : i32
    %get3A_533 = arith.index_cast %get3A_532 : i32 to index
    %get3A_534 = arith.constant 80 : index
    %get3A_535 = tpu.vector_load %arg6[%get3A_533, %get3A_534] {strides = array<i32>} : memref<4x128xi32, #tpu.memory_space<vmem>>, vector<16xi32>,
    %add3A_536 = arith.constant 384 : i32
    %add3A_537 = arith.addi %mul3A_2, %add3A_536 : i32
    %add3A_538 = arith.constant 80 : i32
    %add3A_539 = arith.addi %add3A_537, %add3A_538 : i32
    %add3A_540 = vector.broadcast %add3A_539 : i32 to vector<16xi32>
    %add3A_541 = arith.addi %iota3A, %add3A_540 : vector<16xi32>
    %lt3A_542 = arith.constant 16384 : i32
    %lt3A_543 = vector.broadcast %lt3A_542 : i32 to vector<16xi32>
    %lt3A_544 = arith.cmpi slt, %get3A_535, %lt3A_543 : vector<16xi32>
    %select_n3A_545 = arith.select %lt3A_544, %get3A_535, %add3A_541 : vector<16xi1>, vector<16xi32>
    %swap3A_546 = arith.constant 3 : i32
    %swap3A_547 = arith.index_cast %swap3A_546 : i32 to index
    %swap3A_548 = arith.constant 80 : index
    %swap3A_549 = tpu.vector_load %arg7[%swap3A_547, %swap3A_548] {strides = array<i32>} : memref<4x128xi32, #tpu.memory_space<vmem>>, vector<16xi32>,
    tpu.vector_store %arg7[%swap3A_547, %swap3A_548], %select_n3A_545 {strides = array<i32>} : memref<4x128xi32, #tpu.memory_space<vmem>>, vector<16xi32>,
    %get3A_550 = arith.constant 3 : i32
    %get3A_551 = arith.index_cast %get3A_550 : i32 to index
    %get3A_552 = arith.constant 96 : index
    %get3A_553 = tpu.vector_load %arg6[%get3A_551, %get3A_552] {strides = array<i32>} : memref<4x128xi32, #tpu.memory_space<vmem>>, vector<16xi32>,
    %add3A_554 = arith.constant 384 : i32
    %add3A_555 = arith.addi %mul3A_2, %add3A_554 : i32
    %add3A_556 = arith.constant 96 : i32
    %add3A_557 = arith.addi %add3A_555, %add3A_556 : i32
    %add3A_558 = vector.broadcast %add3A_557 : i32 to vector<16xi32>
    %add3A_559 = arith.addi %iota3A, %add3A_558 : vector<16xi32>
    %lt3A_560 = arith.constant 16384 : i32
    %lt3A_561 = vector.broadcast %lt3A_560 : i32 to vector<16xi32>
    %lt3A_562 = arith.cmpi slt, %get3A_553, %lt3A_561 : vector<16xi32>
    %select_n3A_563 = arith.select %lt3A_562, %get3A_553, %add3A_559 : vector<16xi1>, vector<16xi32>
    %swap3A_564 = arith.constant 3 : i32
    %swap3A_565 = arith.index_cast %swap3A_564 : i32 to index
    %swap3A_566 = arith.constant 96 : index
    %swap3A_567 = tpu.vector_load %arg7[%swap3A_565, %swap3A_566] {strides = array<i32>} : memref<4x128xi32, #tpu.memory_space<vmem>>, vector<16xi32>,
    tpu.vector_store %arg7[%swap3A_565, %swap3A_566], %select_n3A_563 {strides = array<i32>} : memref<4x128xi32, #tpu.memory_space<vmem>>, vector<16xi32>,
    %get3A_568 = arith.constant 3 : i32
    %get3A_569 = arith.index_cast %get3A_568 : i32 to index
    %get3A_570 = arith.constant 112 : index
    %get3A_571 = tpu.vector_load %arg6[%get3A_569, %get3A_570] {strides = array<i32>} : memref<4x128xi32, #tpu.memory_space<vmem>>, vector<16xi32>,
    %add3A_572 = arith.constant 384 : i32
    %add3A_573 = arith.addi %mul3A_2, %add3A_572 : i32
    %add3A_574 = arith.constant 112 : i32
    %add3A_575 = arith.addi %add3A_573, %add3A_574 : i32
    %add3A_576 = vector.broadcast %add3A_575 : i32 to vector<16xi32>
    %add3A_577 = arith.addi %iota3A, %add3A_576 : vector<16xi32>
    %lt3A_578 = arith.constant 16384 : i32
    %lt3A_579 = vector.broadcast %lt3A_578 : i32 to vector<16xi32>
    %lt3A_580 = arith.cmpi slt, %get3A_571, %lt3A_579 : vector<16xi32>
    %select_n3A_581 = arith.select %lt3A_580, %get3A_571, %add3A_577 : vector<16xi1>, vector<16xi32>
    %swap3A_582 = arith.constant 3 : i32
    %swap3A_583 = arith.index_cast %swap3A_582 : i32 to index
    %swap3A_584 = arith.constant 112 : index
    %swap3A_585 = tpu.vector_load %arg7[%swap3A_583, %swap3A_584] {strides = array<i32>} : memref<4x128xi32, #tpu.memory_space<vmem>>, vector<16xi32>,
    tpu.vector_store %arg7[%swap3A_583, %swap3A_584], %select_n3A_581 {strides = array<i32>} : memref<4x128xi32, #tpu.memory_space<vmem>>, vector<16xi32>,
    %dma_start3A = arith.constant 0 : i32
    %dma_start3A_586 = arith.constant 0 : i32
    %dma_start3A_587 = arith.constant 0 : i32
    %dma_start3A_588 = tpu.memref_slice %arg8[%dma_start3A_586, %dma_start3A_587] : memref<256x128xf32, #tpu.memory_space<vmem>> -> memref<128x128xf32, #tpu.memory_space<vmem>>
    %dma_start3A_589 = arith.constant 0 : i32
    %dma_start3A_590 = tpu.memref_slice %arg6[%dma_start3A, %dma_start3A_589] : memref<4x128xi32, #tpu.memory_space<vmem>> -> memref<1x128xi32, #tpu.memory_space<vmem>>
    %dma_start3A_591 = tpu.memref_squeeze %dma_start3A_590 : memref<1x128xi32, #tpu.memory_space<vmem>> -> memref<128xi32, #tpu.memory_space<vmem>>
    %dma_start3A_592 = arith.constant 0 : i32
    %dma_start3A_593 = arith.constant 0 : i32
    %dma_start3A_594 = tpu.memref_slice %arg2[%dma_start3A_592, %dma_start3A_593] : memref<1000000x128xf32, #tpu.memory_space<hbm>> -> memref<1000000x128xf32, #tpu.memory_space<hbm>>
    tpu.enqueue_indirect_dma source(%dma_start3A_594 : memref<1000000x128xf32, #tpu.memory_space<hbm>>) target(%dma_start3A_588 : memref<128x128xf32, #tpu.memory_space<vmem>>) offsets(%dma_start3A_591 : memref<128xi32, #tpu.memory_space<vmem>>) semaphore(%arg10 : memref<!tpu.dma_semaphore, #tpu.memory_space<semaphore_mem>>)
    %dma_start3A_595 = arith.constant 0 : i32
    %dma_start3A_596 = arith.constant 0 : i32
    %dma_start3A_597 = arith.constant 0 : i32
    %dma_start3A_598 = tpu.memref_slice %arg9[%dma_start3A_596, %dma_start3A_597] : memref<256x128xf32, #tpu.memory_space<vmem>> -> memref<128x128xf32, #tpu.memory_space<vmem>>
    %dma_start3A_599 = arith.constant 0 : i32
    %dma_start3A_600 = tpu.memref_slice %arg7[%dma_start3A_595, %dma_start3A_599] : memref<4x128xi32, #tpu.memory_space<vmem>> -> memref<1x128xi32, #tpu.memory_space<vmem>>
    %dma_start3A_601 = tpu.memref_squeeze %dma_start3A_600 : memref<1x128xi32, #tpu.memory_space<vmem>> -> memref<128xi32, #tpu.memory_space<vmem>>
    %dma_start3A_602 = arith.constant 0 : i32
    %dma_start3A_603 = arith.constant 0 : i32
    %dma_start3A_604 = tpu.memref_slice %arg3[%dma_start3A_602, %dma_start3A_603] : memref<16384x128xf32, #tpu.memory_space<hbm>> -> memref<16384x128xf32, #tpu.memory_space<hbm>>
    tpu.enqueue_indirect_dma source(%dma_start3A_604 : memref<16384x128xf32, #tpu.memory_space<hbm>>) target(%dma_start3A_598 : memref<128x128xf32, #tpu.memory_space<vmem>>) offsets(%dma_start3A_601 : memref<128xi32, #tpu.memory_space<vmem>>) semaphore(%arg10 : memref<!tpu.dma_semaphore, #tpu.memory_space<semaphore_mem>>)
    %dma_start3A_605 = arith.constant 1 : i32
    %dma_start3A_606 = arith.constant 128 : i32
    %dma_start3A_607 = arith.constant 0 : i32
    %dma_start3A_608 = tpu.memref_slice %arg8[%dma_start3A_606, %dma_start3A_607] : memref<256x128xf32, #tpu.memory_space<vmem>> -> memref<128x128xf32, #tpu.memory_space<vmem>>
    %dma_start3A_609 = arith.constant 0 : i32
    %dma_start3A_610 = tpu.memref_slice %arg6[%dma_start3A_605, %dma_start3A_609] : memref<4x128xi32, #tpu.memory_space<vmem>> -> memref<1x128xi32, #tpu.memory_space<vmem>>
    %dma_start3A_611 = tpu.memref_squeeze %dma_start3A_610 : memref<1x128xi32, #tpu.memory_space<vmem>> -> memref<128xi32, #tpu.memory_space<vmem>>
    %dma_start3A_612 = arith.constant 0 : i32
    %dma_start3A_613 = arith.constant 0 : i32
    %dma_start3A_614 = tpu.memref_slice %arg2[%dma_start3A_612, %dma_start3A_613] : memref<1000000x128xf32, #tpu.memory_space<hbm>> -> memref<1000000x128xf32, #tpu.memory_space<hbm>>
    tpu.enqueue_indirect_dma source(%dma_start3A_614 : memref<1000000x128xf32, #tpu.memory_space<hbm>>) target(%dma_start3A_608 : memref<128x128xf32, #tpu.memory_space<vmem>>) offsets(%dma_start3A_611 : memref<128xi32, #tpu.memory_space<vmem>>) semaphore(%arg10 : memref<!tpu.dma_semaphore, #tpu.memory_space<semaphore_mem>>)
    %dma_start3A_615 = arith.constant 1 : i32
    %dma_start3A_616 = arith.constant 128 : i32
    %dma_start3A_617 = arith.constant 0 : i32
    %dma_start3A_618 = tpu.memref_slice %arg9[%dma_start3A_616, %dma_start3A_617] : memref<256x128xf32, #tpu.memory_space<vmem>> -> memref<128x128xf32, #tpu.memory_space<vmem>>
    %dma_start3A_619 = arith.constant 0 : i32
    %dma_start3A_620 = tpu.memref_slice %arg7[%dma_start3A_615, %dma_start3A_619] : memref<4x128xi32, #tpu.memory_space<vmem>> -> memref<1x128xi32, #tpu.memory_space<vmem>>
    %dma_start3A_621 = tpu.memref_squeeze %dma_start3A_620 : memref<1x128xi32, #tpu.memory_space<vmem>> -> memref<128xi32, #tpu.memory_space<vmem>>
    %dma_start3A_622 = arith.constant 0 : i32
    %dma_start3A_623 = arith.constant 0 : i32
    %dma_start3A_624 = tpu.memref_slice %arg3[%dma_start3A_622, %dma_start3A_623] : memref<16384x128xf32, #tpu.memory_space<hbm>> -> memref<16384x128xf32, #tpu.memory_space<hbm>>
    tpu.enqueue_indirect_dma source(%dma_start3A_624 : memref<16384x128xf32, #tpu.memory_space<hbm>>) target(%dma_start3A_618 : memref<128x128xf32, #tpu.memory_space<vmem>>) offsets(%dma_start3A_621 : memref<128xi32, #tpu.memory_space<vmem>>) semaphore(%arg10 : memref<!tpu.dma_semaphore, #tpu.memory_space<semaphore_mem>>)
    %dma_wait3A = arith.constant 0 : i32
    %dma_wait3A_625 = arith.constant 0 : i32
    %dma_wait3A_626 = arith.constant 0 : i32
    %dma_wait3A_627 = tpu.memref_slice %arg8[%dma_wait3A_625, %dma_wait3A_626] : memref<256x128xf32, #tpu.memory_space<vmem>> -> memref<128x128xf32, #tpu.memory_space<vmem>>
    %dma_wait3A_628 = arith.constant 0 : i32
    %dma_wait3A_629 = tpu.memref_slice %arg6[%dma_wait3A, %dma_wait3A_628] : memref<4x128xi32, #tpu.memory_space<vmem>> -> memref<1x128xi32, #tpu.memory_space<vmem>>
    %dma_wait3A_630 = tpu.memref_squeeze %dma_wait3A_629 : memref<1x128xi32, #tpu.memory_space<vmem>> -> memref<128xi32, #tpu.memory_space<vmem>>
    %dma_wait3A_631 = arith.constant 0 : i32
    %dma_wait3A_632 = arith.constant 0 : i32
    %dma_wait3A_633 = tpu.memref_slice %arg2[%dma_wait3A_631, %dma_wait3A_632] : memref<1000000x128xf32, #tpu.memory_space<hbm>> -> memref<1000000x128xf32, #tpu.memory_space<hbm>>
    tpu.wait_indirect_dma semaphore(%arg10 : memref<!tpu.dma_semaphore, #tpu.memory_space<semaphore_mem>>) src(%dma_wait3A_633 : memref<1000000x128xf32, #tpu.memory_space<hbm>>) dst(%dma_wait3A_627 : memref<128x128xf32, #tpu.memory_space<vmem>>)
    %dma_wait3A_634 = arith.constant 0 : i32
    %dma_wait3A_635 = arith.constant 0 : i32
    %dma_wait3A_636 = arith.constant 0 : i32
    %dma_wait3A_637 = tpu.memref_slice %arg9[%dma_wait3A_635, %dma_wait3A_636] : memref<256x128xf32, #tpu.memory_space<vmem>> -> memref<128x128xf32, #tpu.memory_space<vmem>>
    %dma_wait3A_638 = arith.constant 0 : i32
    %dma_wait3A_639 = tpu.memref_slice %arg7[%dma_wait3A_634, %dma_wait3A_638] : memref<4x128xi32, #tpu.memory_space<vmem>> -> memref<1x128xi32, #tpu.memory_space<vmem>>
    %dma_wait3A_640 = tpu.memref_squeeze %dma_wait3A_639 : memref<1x128xi32, #tpu.memory_space<vmem>> -> memref<128xi32, #tpu.memory_space<vmem>>
    %dma_wait3A_641 = arith.constant 0 : i32
    %dma_wait3A_642 = arith.constant 0 : i32
    %dma_wait3A_643 = tpu.memref_slice %arg3[%dma_wait3A_641, %dma_wait3A_642] : memref<16384x128xf32, #tpu.memory_space<hbm>> -> memref<16384x128xf32, #tpu.memory_space<hbm>>
    tpu.wait_indirect_dma semaphore(%arg10 : memref<!tpu.dma_semaphore, #tpu.memory_space<semaphore_mem>>) src(%dma_wait3A_643 : memref<16384x128xf32, #tpu.memory_space<hbm>>) dst(%dma_wait3A_637 : memref<128x128xf32, #tpu.memory_space<vmem>>)
    %dma_wait3A_644 = arith.constant 1 : i32
    %dma_wait3A_645 = arith.constant 128 : i32
    %dma_wait3A_646 = arith.constant 0 : i32
    %dma_wait3A_647 = tpu.memref_slice %arg8[%dma_wait3A_645, %dma_wait3A_646] : memref<256x128xf32, #tpu.memory_space<vmem>> -> memref<128x128xf32, #tpu.memory_space<vmem>>
    %dma_wait3A_648 = arith.constant 0 : i32
    %dma_wait3A_649 = tpu.memref_slice %arg6[%dma_wait3A_644, %dma_wait3A_648] : memref<4x128xi32, #tpu.memory_space<vmem>> -> memref<1x128xi32, #tpu.memory_space<vmem>>
    %dma_wait3A_650 = tpu.memref_squeeze %dma_wait3A_649 : memref<1x128xi32, #tpu.memory_space<vmem>> -> memref<128xi32, #tpu.memory_space<vmem>>
    %dma_wait3A_651 = arith.constant 0 : i32
    %dma_wait3A_652 = arith.constant 0 : i32
    %dma_wait3A_653 = tpu.memref_slice %arg2[%dma_wait3A_651, %dma_wait3A_652] : memref<1000000x128xf32, #tpu.memory_space<hbm>> -> memref<1000000x128xf32, #tpu.memory_space<hbm>>
    tpu.wait_indirect_dma semaphore(%arg10 : memref<!tpu.dma_semaphore, #tpu.memory_space<semaphore_mem>>) src(%dma_wait3A_653 : memref<1000000x128xf32, #tpu.memory_space<hbm>>) dst(%dma_wait3A_647 : memref<128x128xf32, #tpu.memory_space<vmem>>)
    %dma_wait3A_654 = arith.constant 1 : i32
    %dma_wait3A_655 = arith.constant 128 : i32
    %dma_wait3A_656 = arith.constant 0 : i32
    %dma_wait3A_657 = tpu.memref_slice %arg9[%dma_wait3A_655, %dma_wait3A_656] : memref<256x128xf32, #tpu.memory_space<vmem>> -> memref<128x128xf32, #tpu.memory_space<vmem>>
    %dma_wait3A_658 = arith.constant 0 : i32
    %dma_wait3A_659 = tpu.memref_slice %arg7[%dma_wait3A_654, %dma_wait3A_658] : memref<4x128xi32, #tpu.memory_space<vmem>> -> memref<1x128xi32, #tpu.memory_space<vmem>>
    %dma_wait3A_660 = tpu.memref_squeeze %dma_wait3A_659 : memref<1x128xi32, #tpu.memory_space<vmem>> -> memref<128xi32, #tpu.memory_space<vmem>>
    %dma_wait3A_661 = arith.constant 0 : i32
    %dma_wait3A_662 = arith.constant 0 : i32
    %dma_wait3A_663 = tpu.memref_slice %arg3[%dma_wait3A_661, %dma_wait3A_662] : memref<16384x128xf32, #tpu.memory_space<hbm>> -> memref<16384x128xf32, #tpu.memory_space<hbm>>
    tpu.wait_indirect_dma semaphore(%arg10 : memref<!tpu.dma_semaphore, #tpu.memory_space<semaphore_mem>>) src(%dma_wait3A_663 : memref<16384x128xf32, #tpu.memory_space<hbm>>) dst(%dma_wait3A_657 : memref<128x128xf32, #tpu.memory_space<vmem>>)
    %scan3A = arith.constant 0 : i32
    %scan3A_664 = arith.constant 0 : i32
    %scan3A_665 = arith.constant 16 : i32
    %scan3A_666 = arith.addi %scan3A_664, %scan3A_665 : i32
    %scan3A_667 = arith.constant 1 : i32
    scf.for %scan3A_759 = %scan3A_664 to %scan3A_666 step %scan3A_667  : i32 {
      %add3A_760 = arith.constant 0 : i32
      %add3A_761 = arith.addi %scan3A_759, %add3A_760 : i32
      %div3A = arith.constant 8 : i32
      %div3A_762 = arith.divsi %add3A_761, %div3A : i32
      %rem3A = arith.constant 8 : i32
      %rem3A_763 = arith.remsi %add3A_761, %rem3A : i32
      %mul3A_764 = arith.constant 16 : i32
      %mul3A_765 = arith.muli %rem3A_763, %mul3A_764 : i32
      %get3A_766 = arith.index_cast %div3A_762 : i32 to index
      %get3A_767 = arith.index_cast %mul3A_765 : i32 to index
      %get3A_768 = tpu.vector_load %arg6[%get3A_766, %get3A_767] {strides = array<i32>} : memref<4x128xi32, #tpu.memory_space<vmem>>, vector<16xi32>,
      %lt3A_769 = arith.constant 16384 : i32
      %lt3A_770 = vector.broadcast %lt3A_769 : i32 to vector<16xi32>
      %lt3A_771 = arith.cmpi slt, %get3A_768, %lt3A_770 : vector<16xi32>
      %reduce_or3A = arith.constant 1.000000e+00 : f32
      %reduce_or3A_772 = arith.constant 0.000000e+00 : f32
      %reduce_or3A_773 = vector.broadcast %reduce_or3A : f32 to vector<16xf32>
      %reduce_or3A_774 = vector.broadcast %reduce_or3A_772 : f32 to vector<16xf32>
      %reduce_or3A_775 = arith.select %lt3A_771, %reduce_or3A_773, %reduce_or3A_774 : vector<16xi1>, vector<16xf32>
      %reduce_or3A_776 = arith.constant true
      %reduce_or3A_777 = vector.broadcast %reduce_or3A_776 : i1 to vector<16xi1>
      %reduce_or3A_778 = tpu.scan <max>, %reduce_or3A_775 masked %reduce_or3A_777 : vector<16xf32>, vector<16xi1> -> vector<16xf32>
      %reduce_or3A_779 = vector.extract %reduce_or3A_778[15] : f32 from vector<16xf32>
      %reduce_or3A_780 = arith.constant 0.000000e+00 : f32
      %reduce_or3A_781 = arith.cmpf ogt, %reduce_or3A_779, %reduce_or3A_780 : f32
      %convert_element_type3A = arith.extui %reduce_or3A_781 : i1 to i32
      %cond3A = arith.constant 0 : i32
      %cond3A_782 = arith.cmpi ne, %convert_element_type3A, %cond3A : i32
      scf.if %cond3A_782 {
        %scan3A_783 = arith.constant 0 : i32
        %scan3A_784 = arith.constant 0 : i32
        %scan3A_785 = arith.constant 16 : i32
        %scan3A_786 = arith.addi %scan3A_784, %scan3A_785 : i32
        %scan3A_787 = arith.constant 1 : i32
        scf.for %scan3A_789 = %scan3A_784 to %scan3A_786 step %scan3A_787  : i32 {
          %mul3A_790 = arith.constant 16 : i32
          %mul3A_791 = arith.muli %add3A_761, %mul3A_790 : i32
          %add3A_792 = arith.addi %mul3A_791, %scan3A_789 : i32
          %broadcast_in_dim3A = arith.constant 0 : i32
          %broadcast_in_dim3A_793 = vector.broadcast %broadcast_in_dim3A : i32 to vector<16xi32>
          %shift_right_arithmetic3A = arith.constant 7 : i32
          %shift_right_arithmetic3A_794 = arith.shrsi %add3A_792, %shift_right_arithmetic3A : i32
          %add3A_795 = vector.broadcast %shift_right_arithmetic3A_794 : i32 to vector<16xi32>
          %add3A_796 = arith.addi %broadcast_in_dim3A_793, %add3A_795 : vector<16xi32>
          %broadcast_in_dim3A_797 = arith.constant 0 : i32
          %broadcast_in_dim3A_798 = vector.broadcast %broadcast_in_dim3A_797 : i32 to vector<16xi32>
          %and3A = arith.constant 127 : i32
          %and3A_799 = arith.andi %add3A_792, %and3A : i32
          %add3A_800 = vector.broadcast %and3A_799 : i32 to vector<16xi32>
          %add3A_801 = arith.addi %broadcast_in_dim3A_798, %add3A_800 : vector<16xi32>
          %gather3A = tpu.vector_load_idx %arg6[%add3A_796, %add3A_801] : memref<4x128xi32, #tpu.memory_space<vmem>>[vector<16xi32>, vector<16xi32>], vector<16xi32>,
          %lt3A_802 = arith.constant 16384 : i32
          %lt3A_803 = vector.broadcast %lt3A_802 : i32 to vector<16xi32>
          %lt3A_804 = arith.cmpi slt, %gather3A, %lt3A_803 : vector<16xi32>
          %reduce_or3A_805 = arith.constant 1.000000e+00 : f32
          %reduce_or3A_806 = arith.constant 0.000000e+00 : f32
          %reduce_or3A_807 = vector.broadcast %reduce_or3A_805 : f32 to vector<16xf32>
          %reduce_or3A_808 = vector.broadcast %reduce_or3A_806 : f32 to vector<16xf32>
          %reduce_or3A_809 = arith.select %lt3A_804, %reduce_or3A_807, %reduce_or3A_808 : vector<16xi1>, vector<16xf32>
          %reduce_or3A_810 = arith.constant true
          %reduce_or3A_811 = vector.broadcast %reduce_or3A_810 : i1 to vector<16xi1>
          %reduce_or3A_812 = tpu.scan <max>, %reduce_or3A_809 masked %reduce_or3A_811 : vector<16xf32>, vector<16xi1> -> vector<16xf32>
          %reduce_or3A_813 = vector.extract %reduce_or3A_812[15] : f32 from vector<16xf32>
          %reduce_or3A_814 = arith.constant 0.000000e+00 : f32
          %reduce_or3A_815 = arith.cmpf ogt, %reduce_or3A_813, %reduce_or3A_814 : f32
          %convert_element_type3A_816 = arith.extui %reduce_or3A_815 : i1 to i32
          %cond3A_817 = arith.constant 0 : i32
          %cond3A_818 = arith.cmpi ne, %convert_element_type3A_816, %cond3A_817 : i32
          scf.if %cond3A_818 {
            %broadcast_in_dim3A_819 = arith.constant 0 : i32
            %broadcast_in_dim3A_820 = vector.broadcast %broadcast_in_dim3A_819 : i32 to vector<16xi32>
            %sub3A = arith.constant 0 : i32
            %sub3A_821 = arith.subi %add3A_792, %sub3A : i32
            %add3A_822 = vector.broadcast %sub3A_821 : i32 to vector<16xi32>
            %add3A_823 = arith.addi %broadcast_in_dim3A_820, %add3A_822 : vector<16xi32>
            %iota3A_824 = tpu.iota {dimensions = array<i32: 0>} : vector<16xi32>
            %add3A_825 = arith.constant 0 : i32
            %add3A_826 = vector.broadcast %add3A_825 : i32 to vector<16xi32>
            %add3A_827 = arith.addi %iota3A_824, %add3A_826 : vector<16xi32>
            %gather3A_828 = tpu.vector_load_idx %arg8[%add3A_823, %add3A_827] : memref<256x128xf32, #tpu.memory_space<vmem>>[vector<16xi32>, vector<16xi32>], vector<16xf32>,
            %gather3A_829 = tpu.vector_load_idx %arg9[%add3A_823, %add3A_827] : memref<256x128xf32, #tpu.memory_space<vmem>>[vector<16xi32>, vector<16xi32>], vector<16xf32>,
            %select_n3A_830 = arith.select %lt3A_804, %gather3A_829, %gather3A_828 : vector<16xi1>, vector<16xf32>
            tpu.vector_store_idx %arg8[%add3A_823, %add3A_827], %select_n3A_830 : memref<256x128xf32, #tpu.memory_space<vmem>>[vector<16xi32>, vector<16xi32>], vector<16xf32>,
            %iota3A_831 = tpu.iota {dimensions = array<i32: 0>} : vector<16xi32>
            %add3A_832 = arith.constant 16 : i32
            %add3A_833 = vector.broadcast %add3A_832 : i32 to vector<16xi32>
            %add3A_834 = arith.addi %iota3A_831, %add3A_833 : vector<16xi32>
            %gather3A_835 = tpu.vector_load_idx %arg8[%add3A_823, %add3A_834] : memref<256x128xf32, #tpu.memory_space<vmem>>[vector<16xi32>, vector<16xi32>], vector<16xf32>,
            %gather3A_836 = tpu.vector_load_idx %arg9[%add3A_823, %add3A_834] : memref<256x128xf32, #tpu.memory_space<vmem>>[vector<16xi32>, vector<16xi32>], vector<16xf32>,
            %select_n3A_837 = arith.select %lt3A_804, %gather3A_836, %gather3A_835 : vector<16xi1>, vector<16xf32>
            tpu.vector_store_idx %arg8[%add3A_823, %add3A_834], %select_n3A_837 : memref<256x128xf32, #tpu.memory_space<vmem>>[vector<16xi32>, vector<16xi32>], vector<16xf32>,
            %iota3A_838 = tpu.iota {dimensions = array<i32: 0>} : vector<16xi32>
            %add3A_839 = arith.constant 32 : i32
            %add3A_840 = vector.broadcast %add3A_839 : i32 to vector<16xi32>
            %add3A_841 = arith.addi %iota3A_838, %add3A_840 : vector<16xi32>
            %gather3A_842 = tpu.vector_load_idx %arg8[%add3A_823, %add3A_841] : memref<256x128xf32, #tpu.memory_space<vmem>>[vector<16xi32>, vector<16xi32>], vector<16xf32>,
            %gather3A_843 = tpu.vector_load_idx %arg9[%add3A_823, %add3A_841] : memref<256x128xf32, #tpu.memory_space<vmem>>[vector<16xi32>, vector<16xi32>], vector<16xf32>,
            %select_n3A_844 = arith.select %lt3A_804, %gather3A_843, %gather3A_842 : vector<16xi1>, vector<16xf32>
            tpu.vector_store_idx %arg8[%add3A_823, %add3A_841], %select_n3A_844 : memref<256x128xf32, #tpu.memory_space<vmem>>[vector<16xi32>, vector<16xi32>], vector<16xf32>,
            %iota3A_845 = tpu.iota {dimensions = array<i32: 0>} : vector<16xi32>
            %add3A_846 = arith.constant 48 : i32
            %add3A_847 = vector.broadcast %add3A_846 : i32 to vector<16xi32>
            %add3A_848 = arith.addi %iota3A_845, %add3A_847 : vector<16xi32>
            %gather3A_849 = tpu.vector_load_idx %arg8[%add3A_823, %add3A_848] : memref<256x128xf32, #tpu.memory_space<vmem>>[vector<16xi32>, vector<16xi32>], vector<16xf32>,
            %gather3A_850 = tpu.vector_load_idx %arg9[%add3A_823, %add3A_848] : memref<256x128xf32, #tpu.memory_space<vmem>>[vector<16xi32>, vector<16xi32>], vector<16xf32>,
            %select_n3A_851 = arith.select %lt3A_804, %gather3A_850, %gather3A_849 : vector<16xi1>, vector<16xf32>
            tpu.vector_store_idx %arg8[%add3A_823, %add3A_848], %select_n3A_851 : memref<256x128xf32, #tpu.memory_space<vmem>>[vector<16xi32>, vector<16xi32>], vector<16xf32>,
          } else {
          }
        }
        %scan3A_788 = arith.constant 16 : i32
      } else {
      }
    }
    %scan3A_668 = arith.constant 16 : i32
    %add3A_669 = arith.constant 0 : i32
    %add3A_670 = arith.addi %mul3A_2, %add3A_669 : i32
    "tpu.region"() ({
      %run_scoped3A_759 = tpu.sem_alloc : memref<!tpu.dma_semaphore, #tpu.memory_space<semaphore_mem>>
      %dma_start3A_760 = arith.constant 0 : i32
      %dma_start3A_761 = arith.constant 0 : i32
      %dma_start3A_762 = tpu.memref_slice %arg8[%dma_start3A_760, %dma_start3A_761] : memref<256x128xf32, #tpu.memory_space<vmem>> -> memref<256x64xf32, #tpu.memory_space<vmem>>
      %dma_start3A_763 = arith.constant 0 : i32
      %dma_start3A_764 = tpu.memref_slice %arg5[%add3A_670, %dma_start3A_763] : memref<16384x64xf32, #tpu.memory_space<hbm>> -> memref<256x64xf32, #tpu.memory_space<hbm>>
      %dma_start3A_765 = arith.constant 0 : i32
      %dma_start3A_766 = tpu.memref_slice %arg5[%add3A_670, %dma_start3A_765] : memref<16384x64xf32, #tpu.memory_space<hbm>> -> memref<256x64xf32, #tpu.memory_space<hbm>>
      %dma_start3A_767 = arith.constant 0 : i32
      %dma_start3A_768 = arith.constant 0 : i32
      %dma_start3A_769 = tpu.memref_slice %arg8[%dma_start3A_767, %dma_start3A_768] : memref<256x128xf32, #tpu.memory_space<vmem>> -> memref<256x64xf32, #tpu.memory_space<vmem>>
      tpu.enqueue_dma source(%dma_start3A_769 : memref<256x64xf32, #tpu.memory_space<vmem>>) target(%dma_start3A_766 : memref<256x64xf32, #tpu.memory_space<hbm>>) target_semaphore(%run_scoped3A_759 : memref<!tpu.dma_semaphore, #tpu.memory_space<semaphore_mem>>)
      %dma_wait3A_770 = arith.constant 0 : i32
      %dma_wait3A_771 = arith.constant 0 : i32
      %dma_wait3A_772 = tpu.memref_slice %arg8[%dma_wait3A_770, %dma_wait3A_771] : memref<256x128xf32, #tpu.memory_space<vmem>> -> memref<256x64xf32, #tpu.memory_space<vmem>>
      %dma_wait3A_773 = arith.constant 0 : i32
      %dma_wait3A_774 = tpu.memref_slice %arg5[%add3A_670, %dma_wait3A_773] : memref<16384x64xf32, #tpu.memory_space<hbm>> -> memref<256x64xf32, #tpu.memory_space<hbm>>
      %dma_wait3A_775 = arith.constant 0 : i32
      %dma_wait3A_776 = tpu.memref_slice %arg5[%add3A_670, %dma_wait3A_775] : memref<16384x64xf32, #tpu.memory_space<hbm>> -> memref<256x64xf32, #tpu.memory_space<hbm>>
      %dma_wait3A_777 = arith.constant 0 : i32
      %dma_wait3A_778 = arith.constant 0 : i32
      %dma_wait3A_779 = tpu.memref_slice %arg8[%dma_wait3A_777, %dma_wait3A_778] : memref<256x128xf32, #tpu.memory_space<vmem>> -> memref<256x64xf32, #tpu.memory_space<vmem>>
      tpu.wait_dma2 semaphore(%run_scoped3A_759 : memref<!tpu.dma_semaphore, #tpu.memory_space<semaphore_mem>>) src(%dma_wait3A_779 : memref<256x64xf32, #tpu.memory_space<vmem>>) dst(%dma_wait3A_776 : memref<256x64xf32, #tpu.memory_space<hbm>>)
      tpu.yield
    }) : () -> ()
    %dma_start3A_671 = arith.constant 2 : i32
    %dma_start3A_672 = arith.constant 0 : i32
    %dma_start3A_673 = arith.constant 0 : i32
    %dma_start3A_674 = tpu.memref_slice %arg8[%dma_start3A_672, %dma_start3A_673] : memref<256x128xf32, #tpu.memory_space<vmem>> -> memref<128x128xf32, #tpu.memory_space<vmem>>
    %dma_start3A_675 = arith.constant 0 : i32
    %dma_start3A_676 = tpu.memref_slice %arg6[%dma_start3A_671, %dma_start3A_675] : memref<4x128xi32, #tpu.memory_space<vmem>> -> memref<1x128xi32, #tpu.memory_space<vmem>>
    %dma_start3A_677 = tpu.memref_squeeze %dma_start3A_676 : memref<1x128xi32, #tpu.memory_space<vmem>> -> memref<128xi32, #tpu.memory_space<vmem>>
    %dma_start3A_678 = arith.constant 0 : i32
    %dma_start3A_679 = arith.constant 0 : i32
    %dma_start3A_680 = tpu.memref_slice %arg2[%dma_start3A_678, %dma_start3A_679] : memref<1000000x128xf32, #tpu.memory_space<hbm>> -> memref<1000000x128xf32, #tpu.memory_space<hbm>>
    tpu.enqueue_indirect_dma source(%dma_start3A_680 : memref<1000000x128xf32, #tpu.memory_space<hbm>>) target(%dma_start3A_674 : memref<128x128xf32, #tpu.memory_space<vmem>>) offsets(%dma_start3A_677 : memref<128xi32, #tpu.memory_space<vmem>>) semaphore(%arg10 : memref<!tpu.dma_semaphore, #tpu.memory_space<semaphore_mem>>)
    %dma_start3A_681 = arith.constant 2 : i32
    %dma_start3A_682 = arith.constant 0 : i32
    %dma_start3A_683 = arith.constant 0 : i32
    %dma_start3A_684 = tpu.memref_slice %arg9[%dma_start3A_682, %dma_start3A_683] : memref<256x128xf32, #tpu.memory_space<vmem>> -> memref<128x128xf32, #tpu.memory_space<vmem>>
    %dma_start3A_685 = arith.constant 0 : i32
    %dma_start3A_686 = tpu.memref_slice %arg7[%dma_start3A_681, %dma_start3A_685] : memref<4x128xi32, #tpu.memory_space<vmem>> -> memref<1x128xi32, #tpu.memory_space<vmem>>
    %dma_start3A_687 = tpu.memref_squeeze %dma_start3A_686 : memref<1x128xi32, #tpu.memory_space<vmem>> -> memref<128xi32, #tpu.memory_space<vmem>>
    %dma_start3A_688 = arith.constant 0 : i32
    %dma_start3A_689 = arith.constant 0 : i32
    %dma_start3A_690 = tpu.memref_slice %arg3[%dma_start3A_688, %dma_start3A_689] : memref<16384x128xf32, #tpu.memory_space<hbm>> -> memref<16384x128xf32, #tpu.memory_space<hbm>>
    tpu.enqueue_indirect_dma source(%dma_start3A_690 : memref<16384x128xf32, #tpu.memory_space<hbm>>) target(%dma_start3A_684 : memref<128x128xf32, #tpu.memory_space<vmem>>) offsets(%dma_start3A_687 : memref<128xi32, #tpu.memory_space<vmem>>) semaphore(%arg10 : memref<!tpu.dma_semaphore, #tpu.memory_space<semaphore_mem>>)
    %dma_start3A_691 = arith.constant 3 : i32
    %dma_start3A_692 = arith.constant 128 : i32
    %dma_start3A_693 = arith.constant 0 : i32
    %dma_start3A_694 = tpu.memref_slice %arg8[%dma_start3A_692, %dma_start3A_693] : memref<256x128xf32, #tpu.memory_space<vmem>> -> memref<128x128xf32, #tpu.memory_space<vmem>>
    %dma_start3A_695 = arith.constant 0 : i32
    %dma_start3A_696 = tpu.memref_slice %arg6[%dma_start3A_691, %dma_start3A_695] : memref<4x128xi32, #tpu.memory_space<vmem>> -> memref<1x128xi32, #tpu.memory_space<vmem>>
    %dma_start3A_697 = tpu.memref_squeeze %dma_start3A_696 : memref<1x128xi32, #tpu.memory_space<vmem>> -> memref<128xi32, #tpu.memory_space<vmem>>
    %dma_start3A_698 = arith.constant 0 : i32
    %dma_start3A_699 = arith.constant 0 : i32
    %dma_start3A_700 = tpu.memref_slice %arg2[%dma_start3A_698, %dma_start3A_699] : memref<1000000x128xf32, #tpu.memory_space<hbm>> -> memref<1000000x128xf32, #tpu.memory_space<hbm>>
    tpu.enqueue_indirect_dma source(%dma_start3A_700 : memref<1000000x128xf32, #tpu.memory_space<hbm>>) target(%dma_start3A_694 : memref<128x128xf32, #tpu.memory_space<vmem>>) offsets(%dma_start3A_697 : memref<128xi32, #tpu.memory_space<vmem>>) semaphore(%arg10 : memref<!tpu.dma_semaphore, #tpu.memory_space<semaphore_mem>>)
    %dma_start3A_701 = arith.constant 3 : i32
    %dma_start3A_702 = arith.constant 128 : i32
    %dma_start3A_703 = arith.constant 0 : i32
    %dma_start3A_704 = tpu.memref_slice %arg9[%dma_start3A_702, %dma_start3A_703] : memref<256x128xf32, #tpu.memory_space<vmem>> -> memref<128x128xf32, #tpu.memory_space<vmem>>
    %dma_start3A_705 = arith.constant 0 : i32
    %dma_start3A_706 = tpu.memref_slice %arg7[%dma_start3A_701, %dma_start3A_705] : memref<4x128xi32, #tpu.memory_space<vmem>> -> memref<1x128xi32, #tpu.memory_space<vmem>>
    %dma_start3A_707 = tpu.memref_squeeze %dma_start3A_706 : memref<1x128xi32, #tpu.memory_space<vmem>> -> memref<128xi32, #tpu.memory_space<vmem>>
    %dma_start3A_708 = arith.constant 0 : i32
    %dma_start3A_709 = arith.constant 0 : i32
    %dma_start3A_710 = tpu.memref_slice %arg3[%dma_start3A_708, %dma_start3A_709] : memref<16384x128xf32, #tpu.memory_space<hbm>> -> memref<16384x128xf32, #tpu.memory_space<hbm>>
    tpu.enqueue_indirect_dma source(%dma_start3A_710 : memref<16384x128xf32, #tpu.memory_space<hbm>>) target(%dma_start3A_704 : memref<128x128xf32, #tpu.memory_space<vmem>>) offsets(%dma_start3A_707 : memref<128xi32, #tpu.memory_space<vmem>>) semaphore(%arg10 : memref<!tpu.dma_semaphore, #tpu.memory_space<semaphore_mem>>)
    %dma_wait3A_711 = arith.constant 2 : i32
    %dma_wait3A_712 = arith.constant 0 : i32
    %dma_wait3A_713 = arith.constant 0 : i32
    %dma_wait3A_714 = tpu.memref_slice %arg8[%dma_wait3A_712, %dma_wait3A_713] : memref<256x128xf32, #tpu.memory_space<vmem>> -> memref<128x128xf32, #tpu.memory_space<vmem>>
    %dma_wait3A_715 = arith.constant 0 : i32
    %dma_wait3A_716 = tpu.memref_slice %arg6[%dma_wait3A_711, %dma_wait3A_715] : memref<4x128xi32, #tpu.memory_space<vmem>> -> memref<1x128xi32, #tpu.memory_space<vmem>>
    %dma_wait3A_717 = tpu.memref_squeeze %dma_wait3A_716 : memref<1x128xi32, #tpu.memory_space<vmem>> -> memref<128xi32, #tpu.memory_space<vmem>>
    %dma_wait3A_718 = arith.constant 0 : i32
    %dma_wait3A_719 = arith.constant 0 : i32
    %dma_wait3A_720 = tpu.memref_slice %arg2[%dma_wait3A_718, %dma_wait3A_719] : memref<1000000x128xf32, #tpu.memory_space<hbm>> -> memref<1000000x128xf32, #tpu.memory_space<hbm>>
    tpu.wait_indirect_dma semaphore(%arg10 : memref<!tpu.dma_semaphore, #tpu.memory_space<semaphore_mem>>) src(%dma_wait3A_720 : memref<1000000x128xf32, #tpu.memory_space<hbm>>) dst(%dma_wait3A_714 : memref<128x128xf32, #tpu.memory_space<vmem>>)
    %dma_wait3A_721 = arith.constant 2 : i32
    %dma_wait3A_722 = arith.constant 0 : i32
    %dma_wait3A_723 = arith.constant 0 : i32
    %dma_wait3A_724 = tpu.memref_slice %arg9[%dma_wait3A_722, %dma_wait3A_723] : memref<256x128xf32, #tpu.memory_space<vmem>> -> memref<128x128xf32, #tpu.memory_space<vmem>>
    %dma_wait3A_725 = arith.constant 0 : i32
    %dma_wait3A_726 = tpu.memref_slice %arg7[%dma_wait3A_721, %dma_wait3A_725] : memref<4x128xi32, #tpu.memory_space<vmem>> -> memref<1x128xi32, #tpu.memory_space<vmem>>
    %dma_wait3A_727 = tpu.memref_squeeze %dma_wait3A_726 : memref<1x128xi32, #tpu.memory_space<vmem>> -> memref<128xi32, #tpu.memory_space<vmem>>
    %dma_wait3A_728 = arith.constant 0 : i32
    %dma_wait3A_729 = arith.constant 0 : i32
    %dma_wait3A_730 = tpu.memref_slice %arg3[%dma_wait3A_728, %dma_wait3A_729] : memref<16384x128xf32, #tpu.memory_space<hbm>> -> memref<16384x128xf32, #tpu.memory_space<hbm>>
    tpu.wait_indirect_dma semaphore(%arg10 : memref<!tpu.dma_semaphore, #tpu.memory_space<semaphore_mem>>) src(%dma_wait3A_730 : memref<16384x128xf32, #tpu.memory_space<hbm>>) dst(%dma_wait3A_724 : memref<128x128xf32, #tpu.memory_space<vmem>>)
    %dma_wait3A_731 = arith.constant 3 : i32
    %dma_wait3A_732 = arith.constant 128 : i32
    %dma_wait3A_733 = arith.constant 0 : i32
    %dma_wait3A_734 = tpu.memref_slice %arg8[%dma_wait3A_732, %dma_wait3A_733] : memref<256x128xf32, #tpu.memory_space<vmem>> -> memref<128x128xf32, #tpu.memory_space<vmem>>
    %dma_wait3A_735 = arith.constant 0 : i32
    %dma_wait3A_736 = tpu.memref_slice %arg6[%dma_wait3A_731, %dma_wait3A_735] : memref<4x128xi32, #tpu.memory_space<vmem>> -> memref<1x128xi32, #tpu.memory_space<vmem>>
    %dma_wait3A_737 = tpu.memref_squeeze %dma_wait3A_736 : memref<1x128xi32, #tpu.memory_space<vmem>> -> memref<128xi32, #tpu.memory_space<vmem>>
    %dma_wait3A_738 = arith.constant 0 : i32
    %dma_wait3A_739 = arith.constant 0 : i32
    %dma_wait3A_740 = tpu.memref_slice %arg2[%dma_wait3A_738, %dma_wait3A_739] : memref<1000000x128xf32, #tpu.memory_space<hbm>> -> memref<1000000x128xf32, #tpu.memory_space<hbm>>
    tpu.wait_indirect_dma semaphore(%arg10 : memref<!tpu.dma_semaphore, #tpu.memory_space<semaphore_mem>>) src(%dma_wait3A_740 : memref<1000000x128xf32, #tpu.memory_space<hbm>>) dst(%dma_wait3A_734 : memref<128x128xf32, #tpu.memory_space<vmem>>)
    %dma_wait3A_741 = arith.constant 3 : i32
    %dma_wait3A_742 = arith.constant 128 : i32
    %dma_wait3A_743 = arith.constant 0 : i32
    %dma_wait3A_744 = tpu.memref_slice %arg9[%dma_wait3A_742, %dma_wait3A_743] : memref<256x128xf32, #tpu.memory_space<vmem>> -> memref<128x128xf32, #tpu.memory_space<vmem>>
    %dma_wait3A_745 = arith.constant 0 : i32
    %dma_wait3A_746 = tpu.memref_slice %arg7[%dma_wait3A_741, %dma_wait3A_745] : memref<4x128xi32, #tpu.memory_space<vmem>> -> memref<1x128xi32, #tpu.memory_space<vmem>>
    %dma_wait3A_747 = tpu.memref_squeeze %dma_wait3A_746 : memref<1x128xi32, #tpu.memory_space<vmem>> -> memref<128xi32, #tpu.memory_space<vmem>>
    %dma_wait3A_748 = arith.constant 0 : i32
    %dma_wait3A_749 = arith.constant 0 : i32
    %dma_wait3A_750 = tpu.memref_slice %arg3[%dma_wait3A_748, %dma_wait3A_749] : memref<16384x128xf32, #tpu.memory_space<hbm>> -> memref<16384x128xf32, #tpu.memory_space<hbm>>
    tpu.wait_indirect_dma semaphore(%arg10 : memref<!tpu.dma_semaphore, #tpu.memory_space<semaphore_mem>>) src(%dma_wait3A_750 : memref<16384x128xf32, #tpu.memory_space<hbm>>) dst(%dma_wait3A_744 : memref<128x128xf32, #tpu.memory_space<vmem>>)
    %scan3A_751 = arith.constant 0 : i32
    %scan3A_752 = arith.constant 0 : i32
    %scan3A_753 = arith.constant 16 : i32
    %scan3A_754 = arith.addi %scan3A_752, %scan3A_753 : i32
    %scan3A_755 = arith.constant 1 : i32
    scf.for %scan3A_759 = %scan3A_752 to %scan3A_754 step %scan3A_755  : i32 {
      %add3A_760 = arith.constant 16 : i32
      %add3A_761 = arith.addi %scan3A_759, %add3A_760 : i32
      %div3A = arith.constant 8 : i32
      %div3A_762 = arith.divsi %add3A_761, %div3A : i32
      %rem3A = arith.constant 8 : i32
      %rem3A_763 = arith.remsi %add3A_761, %rem3A : i32
      %mul3A_764 = arith.constant 16 : i32
      %mul3A_765 = arith.muli %rem3A_763, %mul3A_764 : i32
      %get3A_766 = arith.index_cast %div3A_762 : i32 to index
      %get3A_767 = arith.index_cast %mul3A_765 : i32 to index
      %get3A_768 = tpu.vector_load %arg6[%get3A_766, %get3A_767] {strides = array<i32>} : memref<4x128xi32, #tpu.memory_space<vmem>>, vector<16xi32>,
      %lt3A_769 = arith.constant 16384 : i32
      %lt3A_770 = vector.broadcast %lt3A_769 : i32 to vector<16xi32>
      %lt3A_771 = arith.cmpi slt, %get3A_768, %lt3A_770 : vector<16xi32>
      %reduce_or3A = arith.constant 1.000000e+00 : f32
      %reduce_or3A_772 = arith.constant 0.000000e+00 : f32
      %reduce_or3A_773 = vector.broadcast %reduce_or3A : f32 to vector<16xf32>
      %reduce_or3A_774 = vector.broadcast %reduce_or3A_772 : f32 to vector<16xf32>
      %reduce_or3A_775 = arith.select %lt3A_771, %reduce_or3A_773, %reduce_or3A_774 : vector<16xi1>, vector<16xf32>
      %reduce_or3A_776 = arith.constant true
      %reduce_or3A_777 = vector.broadcast %reduce_or3A_776 : i1 to vector<16xi1>
      %reduce_or3A_778 = tpu.scan <max>, %reduce_or3A_775 masked %reduce_or3A_777 : vector<16xf32>, vector<16xi1> -> vector<16xf32>
      %reduce_or3A_779 = vector.extract %reduce_or3A_778[15] : f32 from vector<16xf32>
      %reduce_or3A_780 = arith.constant 0.000000e+00 : f32
      %reduce_or3A_781 = arith.cmpf ogt, %reduce_or3A_779, %reduce_or3A_780 : f32
      %convert_element_type3A = arith.extui %reduce_or3A_781 : i1 to i32
      %cond3A = arith.constant 0 : i32
      %cond3A_782 = arith.cmpi ne, %convert_element_type3A, %cond3A : i32
      scf.if %cond3A_782 {
        %scan3A_783 = arith.constant 0 : i32
        %scan3A_784 = arith.constant 0 : i32
        %scan3A_785 = arith.constant 16 : i32
        %scan3A_786 = arith.addi %scan3A_784, %scan3A_785 : i32
        %scan3A_787 = arith.constant 1 : i32
        scf.for %scan3A_789 = %scan3A_784 to %scan3A_786 step %scan3A_787  : i32 {
          %mul3A_790 = arith.constant 16 : i32
          %mul3A_791 = arith.muli %add3A_761, %mul3A_790 : i32
          %add3A_792 = arith.addi %mul3A_791, %scan3A_789 : i32
          %broadcast_in_dim3A = arith.constant 0 : i32
          %broadcast_in_dim3A_793 = vector.broadcast %broadcast_in_dim3A : i32 to vector<16xi32>
          %shift_right_arithmetic3A = arith.constant 7 : i32
          %shift_right_arithmetic3A_794 = arith.shrsi %add3A_792, %shift_right_arithmetic3A : i32
          %add3A_795 = vector.broadcast %shift_right_arithmetic3A_794 : i32 to vector<16xi32>
          %add3A_796 = arith.addi %broadcast_in_dim3A_793, %add3A_795 : vector<16xi32>
          %broadcast_in_dim3A_797 = arith.constant 0 : i32
          %broadcast_in_dim3A_798 = vector.broadcast %broadcast_in_dim3A_797 : i32 to vector<16xi32>
          %and3A = arith.constant 127 : i32
          %and3A_799 = arith.andi %add3A_792, %and3A : i32
          %add3A_800 = vector.broadcast %and3A_799 : i32 to vector<16xi32>
          %add3A_801 = arith.addi %broadcast_in_dim3A_798, %add3A_800 : vector<16xi32>
          %gather3A = tpu.vector_load_idx %arg6[%add3A_796, %add3A_801] : memref<4x128xi32, #tpu.memory_space<vmem>>[vector<16xi32>, vector<16xi32>], vector<16xi32>,
          %lt3A_802 = arith.constant 16384 : i32
          %lt3A_803 = vector.broadcast %lt3A_802 : i32 to vector<16xi32>
          %lt3A_804 = arith.cmpi slt, %gather3A, %lt3A_803 : vector<16xi32>
          %reduce_or3A_805 = arith.constant 1.000000e+00 : f32
          %reduce_or3A_806 = arith.constant 0.000000e+00 : f32
          %reduce_or3A_807 = vector.broadcast %reduce_or3A_805 : f32 to vector<16xf32>
          %reduce_or3A_808 = vector.broadcast %reduce_or3A_806 : f32 to vector<16xf32>
          %reduce_or3A_809 = arith.select %lt3A_804, %reduce_or3A_807, %reduce_or3A_808 : vector<16xi1>, vector<16xf32>
          %reduce_or3A_810 = arith.constant true
          %reduce_or3A_811 = vector.broadcast %reduce_or3A_810 : i1 to vector<16xi1>
          %reduce_or3A_812 = tpu.scan <max>, %reduce_or3A_809 masked %reduce_or3A_811 : vector<16xf32>, vector<16xi1> -> vector<16xf32>
          %reduce_or3A_813 = vector.extract %reduce_or3A_812[15] : f32 from vector<16xf32>
          %reduce_or3A_814 = arith.constant 0.000000e+00 : f32
          %reduce_or3A_815 = arith.cmpf ogt, %reduce_or3A_813, %reduce_or3A_814 : f32
          %convert_element_type3A_816 = arith.extui %reduce_or3A_815 : i1 to i32
          %cond3A_817 = arith.constant 0 : i32
          %cond3A_818 = arith.cmpi ne, %convert_element_type3A_816, %cond3A_817 : i32
          scf.if %cond3A_818 {
            %broadcast_in_dim3A_819 = arith.constant 0 : i32
            %broadcast_in_dim3A_820 = vector.broadcast %broadcast_in_dim3A_819 : i32 to vector<16xi32>
            %sub3A = arith.constant 256 : i32
            %sub3A_821 = arith.subi %add3A_792, %sub3A : i32
            %add3A_822 = vector.broadcast %sub3A_821 : i32 to vector<16xi32>
            %add3A_823 = arith.addi %broadcast_in_dim3A_820, %add3A_822 : vector<16xi32>
            %iota3A_824 = tpu.iota {dimensions = array<i32: 0>} : vector<16xi32>
            %add3A_825 = arith.constant 0 : i32
            %add3A_826 = vector.broadcast %add3A_825 : i32 to vector<16xi32>
            %add3A_827 = arith.addi %iota3A_824, %add3A_826 : vector<16xi32>
            %gather3A_828 = tpu.vector_load_idx %arg8[%add3A_823, %add3A_827] : memref<256x128xf32, #tpu.memory_space<vmem>>[vector<16xi32>, vector<16xi32>], vector<16xf32>,
            %gather3A_829 = tpu.vector_load_idx %arg9[%add3A_823, %add3A_827] : memref<256x128xf32, #tpu.memory_space<vmem>>[vector<16xi32>, vector<16xi32>], vector<16xf32>,
            %select_n3A_830 = arith.select %lt3A_804, %gather3A_829, %gather3A_828 : vector<16xi1>, vector<16xf32>
            tpu.vector_store_idx %arg8[%add3A_823, %add3A_827], %select_n3A_830 : memref<256x128xf32, #tpu.memory_space<vmem>>[vector<16xi32>, vector<16xi32>], vector<16xf32>,
            %iota3A_831 = tpu.iota {dimensions = array<i32: 0>} : vector<16xi32>
            %add3A_832 = arith.constant 16 : i32
            %add3A_833 = vector.broadcast %add3A_832 : i32 to vector<16xi32>
            %add3A_834 = arith.addi %iota3A_831, %add3A_833 : vector<16xi32>
            %gather3A_835 = tpu.vector_load_idx %arg8[%add3A_823, %add3A_834] : memref<256x128xf32, #tpu.memory_space<vmem>>[vector<16xi32>, vector<16xi32>], vector<16xf32>,
            %gather3A_836 = tpu.vector_load_idx %arg9[%add3A_823, %add3A_834] : memref<256x128xf32, #tpu.memory_space<vmem>>[vector<16xi32>, vector<16xi32>], vector<16xf32>,
            %select_n3A_837 = arith.select %lt3A_804, %gather3A_836, %gather3A_835 : vector<16xi1>, vector<16xf32>
            tpu.vector_store_idx %arg8[%add3A_823, %add3A_834], %select_n3A_837 : memref<256x128xf32, #tpu.memory_space<vmem>>[vector<16xi32>, vector<16xi32>], vector<16xf32>,
            %iota3A_838 = tpu.iota {dimensions = array<i32: 0>} : vector<16xi32>
            %add3A_839 = arith.constant 32 : i32
            %add3A_840 = vector.broadcast %add3A_839 : i32 to vector<16xi32>
            %add3A_841 = arith.addi %iota3A_838, %add3A_840 : vector<16xi32>
            %gather3A_842 = tpu.vector_load_idx %arg8[%add3A_823, %add3A_841] : memref<256x128xf32, #tpu.memory_space<vmem>>[vector<16xi32>, vector<16xi32>], vector<16xf32>,
            %gather3A_843 = tpu.vector_load_idx %arg9[%add3A_823, %add3A_841] : memref<256x128xf32, #tpu.memory_space<vmem>>[vector<16xi32>, vector<16xi32>], vector<16xf32>,
            %select_n3A_844 = arith.select %lt3A_804, %gather3A_843, %gather3A_842 : vector<16xi1>, vector<16xf32>
            tpu.vector_store_idx %arg8[%add3A_823, %add3A_841], %select_n3A_844 : memref<256x128xf32, #tpu.memory_space<vmem>>[vector<16xi32>, vector<16xi32>], vector<16xf32>,
            %iota3A_845 = tpu.iota {dimensions = array<i32: 0>} : vector<16xi32>
            %add3A_846 = arith.constant 48 : i32
            %add3A_847 = vector.broadcast %add3A_846 : i32 to vector<16xi32>
            %add3A_848 = arith.addi %iota3A_845, %add3A_847 : vector<16xi32>
            %gather3A_849 = tpu.vector_load_idx %arg8[%add3A_823, %add3A_848] : memref<256x128xf32, #tpu.memory_space<vmem>>[vector<16xi32>, vector<16xi32>], vector<16xf32>,
            %gather3A_850 = tpu.vector_load_idx %arg9[%add3A_823, %add3A_848] : memref<256x128xf32, #tpu.memory_space<vmem>>[vector<16xi32>, vector<16xi32>], vector<16xf32>,
            %select_n3A_851 = arith.select %lt3A_804, %gather3A_850, %gather3A_849 : vector<16xi1>, vector<16xf32>
            tpu.vector_store_idx %arg8[%add3A_823, %add3A_848], %select_n3A_851 : memref<256x128xf32, #tpu.memory_space<vmem>>[vector<16xi32>, vector<16xi32>], vector<16xf32>,
          } else {
          }
        }
        %scan3A_788 = arith.constant 16 : i32
      } else {
      }
    }
    %scan3A_756 = arith.constant 16 : i32
    %add3A_757 = arith.constant 256 : i32
    %add3A_758 = arith.addi %mul3A_2, %add3A_757 : i32
    "tpu.region"() ({
      %run_scoped3A_759 = tpu.sem_alloc : memref<!tpu.dma_semaphore, #tpu.memory_space<semaphore_mem>>
      %dma_start3A_760 = arith.constant 0 : i32
      %dma_start3A_761 = arith.constant 0 : i32
      %dma_start3A_762 = tpu.memref_slice %arg8[%dma_start3A_760, %dma_start3A_761] : memref<256x128xf32, #tpu.memory_space<vmem>> -> memref<256x64xf32, #tpu.memory_space<vmem>>
      %dma_start3A_763 = arith.constant 0 : i32
      %dma_start3A_764 = tpu.memref_slice %arg5[%add3A_758, %dma_start3A_763] : memref<16384x64xf32, #tpu.memory_space<hbm>> -> memref<256x64xf32, #tpu.memory_space<hbm>>
      %dma_start3A_765 = arith.constant 0 : i32
      %dma_start3A_766 = tpu.memref_slice %arg5[%add3A_758, %dma_start3A_765] : memref<16384x64xf32, #tpu.memory_space<hbm>> -> memref<256x64xf32, #tpu.memory_space<hbm>>
      %dma_start3A_767 = arith.constant 0 : i32
      %dma_start3A_768 = arith.constant 0 : i32
      %dma_start3A_769 = tpu.memref_slice %arg8[%dma_start3A_767, %dma_start3A_768] : memref<256x128xf32, #tpu.memory_space<vmem>> -> memref<256x64xf32, #tpu.memory_space<vmem>>
      tpu.enqueue_dma source(%dma_start3A_769 : memref<256x64xf32, #tpu.memory_space<vmem>>) target(%dma_start3A_766 : memref<256x64xf32, #tpu.memory_space<hbm>>) target_semaphore(%run_scoped3A_759 : memref<!tpu.dma_semaphore, #tpu.memory_space<semaphore_mem>>)
      %dma_wait3A_770 = arith.constant 0 : i32
      %dma_wait3A_771 = arith.constant 0 : i32
      %dma_wait3A_772 = tpu.memref_slice %arg8[%dma_wait3A_770, %dma_wait3A_771] : memref<256x128xf32, #tpu.memory_space<vmem>> -> memref<256x64xf32, #tpu.memory_space<vmem>>
      %dma_wait3A_773 = arith.constant 0 : i32
      %dma_wait3A_774 = tpu.memref_slice %arg5[%add3A_758, %dma_wait3A_773] : memref<16384x64xf32, #tpu.memory_space<hbm>> -> memref<256x64xf32, #tpu.memory_space<hbm>>
      %dma_wait3A_775 = arith.constant 0 : i32
      %dma_wait3A_776 = tpu.memref_slice %arg5[%add3A_758, %dma_wait3A_775] : memref<16384x64xf32, #tpu.memory_space<hbm>> -> memref<256x64xf32, #tpu.memory_space<hbm>>
      %dma_wait3A_777 = arith.constant 0 : i32
      %dma_wait3A_778 = arith.constant 0 : i32
      %dma_wait3A_779 = tpu.memref_slice %arg8[%dma_wait3A_777, %dma_wait3A_778] : memref<256x128xf32, #tpu.memory_space<vmem>> -> memref<256x64xf32, #tpu.memory_space<vmem>>
      tpu.wait_dma2 semaphore(%run_scoped3A_759 : memref<!tpu.dma_semaphore, #tpu.memory_space<semaphore_mem>>) src(%dma_wait3A_779 : memref<256x64xf32, #tpu.memory_space<vmem>>) dst(%dma_wait3A_776 : memref<256x64xf32, #tpu.memory_space<hbm>>)
      tpu.yield
    }) : () -> ()
    return
  }
}

</mosaic_0001>

<sc_bundles>
// kernel: _run.3.cloned.1.call-start
scs
__scs_entry_jumppad:
0x0: {  	(pc) =	sbr.rel $0x88, $3  }
0x1: {  	(tag) =	ssettag $0x0;
	lr =	simm.s32 $0x1  }
0x2: {  	[smem:$0x3F9E] =	sst lr;
	_ =	strace $0xD0000000  }
0x3: {  	_ = 	snop  }
0x4: {  	_ = 	snop  }
0x5: {  	_ = 	snop  }
0x6: {  	_ = 	snop  }
0x7: {  	_ = 	snop  }
__scs_overlays_trampoline_lowered:
0x8: {  	[smem:$0x3FAD] =	sst s0  }
0x9: {  	[smem:$0x3FAE] =	sst s1  }
0xa: {  	[smem:$0x3FAF] =	sst s2  }
0xb: {  	[smem:$0x3FB0] =	sst s3  }
0xc: {  	[smem:$0x3FB1] =	sst s4  }
0xd: {  	[smem:$0x3FB2] =	sst s5  }
0xe: {  	[smem:$0x3FB3] =	sst s6  }
0xf: {  	[smem:$0x3FB4] =	sst s7  }
0x10: {  	[smem:$0x3FB5] =	sst s8  }
0x11: {  	[smem:$0x3FB6] =	sst s9;
	s0 =	simm.s32 @!p0 $0x0  }
0x12: {  	s1 =	sld [smem:$0x3F9C];
	s0 =	simm.s32 @p0 $0x1  }
0x13: {  	[smem:$0x3FB7] =	sst s0;
	s0 =	simm.s32 @!p1 $0x0  }
0x14: {  	s2 =	sld [smem:$0x3F9B];
	s0 =	simm.s32 @p1 $0x1  }
0x15: {  	[smem:$0x3FB8] =	sst s0;
	s0 =	simm.s32 @!p2 $0x0  }
0x16: {  	s3 =	sld [smem:$0x3FDB];
	s0 =	simm.s32 @p2 $0x1  }
0x17: {  	s4 =	simm.s32 $0x1BF5;
	[smem:$0x3FBA] =	sst s0  }
0x18: {  	s0 =	sld [smem:$0x3F9D];
	_ =	swait.ge [sflag:s4], $0x0  }
0x19: {  	s7 =	sld [smem:$0x3F9E]  }
0x1a: {  	s8 =	sadd.s32 $0xFFFFE003, lr  }
0x1b: {  	s9 =	sadd.s32 $0xFFFFFEF7, lr;
	s5 =	simm.s32 $0xFFFFFFFF;
	p2 =	slt.u32 s8, $0xFFFFF086  }
0x1c: {  	p1 =	slt.u32 s9, $0xF7A;
	s5 =	simm.s32 @!p2 $0x0  }
0x1d: {  	s5 =	simm.s32 @p1 $0x1;
	p0 =	seq.s32 s7, s2  }
0x1e: {  	s7 =	smul.u32 @!p0 $0xF7A, s2;
	p2 =	seq.s32 @!p0 s5, $0x0  }
0x1f: {  	s9 =	smul.u32 $0xF7A, s1;
	s8 =	simm.s32 @!p0 $0x1BF5;
	p2 =	por !p2, p0  }
0x20: {  	[sflag:s8] =	ssyncset.s32 @!p0 $0xFFFFF086;
	s6 =	sadd.s32 @!p0 s3, s7;
	s7 =	simm.s32 @!p0 $0x108  }
0x21: {  	s3 =	sadd.s32 s3, s9;
	s6 =	sadd.s32 @!p0 $0x88, s6;
	s7 =	simm.s32 @p2 $0x1082  }
0x22: {  	[simem:s7], [sflag:s8] =	dma.local @!p0 [hbm:s6], $0xF7A  }
0x23: {  	s9 =	sor.u32 $0xD0000000, s2;
	s6 =	simm.s32 $0x108;
	_ =	swait.ge @!p0 [sflag:s8], $0x0  }
0x24: {  	s3 =	sadd.s32 $0x88, s3;
	s6 =	simm.s32 @!p1 $0x1082;
	[sflag:s4] =	ssyncset.s32 $0xFFFFF086  }
0x25: {  	[simem:s6], [sflag:s4] =	dma.local [hbm:s3], $0xF7A  }
0x26: {  	[smem:$0x3F9E] =	sst s1;
	(tag) =	ssettag s2;
	_ =	strace s9  }
0x27: {  	s1 =	sld [smem:$0x3FAE]  }
0x28: {  	s2 =	sld [smem:$0x3FAF]  }
0x29: {  	s4 =	sld [smem:$0x3FB1]  }
0x2a: {  	p0 =	seq.s32 s5, $0x0;
	s5 =	sld [smem:$0x3FB2]  }
0x2b: {  	s6 =	sld [smem:$0x3FB3]  }
0x2c: {  	s7 =	sld [smem:$0x3FB4]  }
0x2d: {  	s3 =	simm.s32 $0x108;
	s8 =	sld [smem:$0x3FB5]  }
0x2e: {  	s3 =	simm.s32 @!p0 $0x1082;
	s9 =	sld [smem:$0x3FB6]  }
0x2f: {  	lr =	sadd.s32 s0, s3;
	s0 =	sld [smem:$0x3FAD]  }
0x30: {  	s3 =	sld [smem:$0x3FB0]  }
0x31: {  	[smem:$0x3FB9] =	sst s10  }
0x32: {  	s10 =	sld [smem:$0x3FB7];
	_ =	sdelay $0x3  }
0x33: {  	p0 =	seq.s32 s10, $0x1;
	s10 =	sld [smem:$0x3FB9];
	_ =	sdelay $0x3  }
0x34: {  	[smem:$0x3FB9] =	sst s10  }
0x35: {  	s10 =	sld [smem:$0x3FB8];
	_ =	sdelay $0x3  }
0x36: {  	p1 =	seq.s32 s10, $0x1;
	s10 =	sld [smem:$0x3FB9];
	_ =	sdelay $0x3  }
0x37: {  	[smem:$0x3FB9] =	sst s10  }
0x38: {  	s10 =	sld [smem:$0x3FBA]  }
0x39: {  	_ = 	snop;
	(pc) =	sbr.ind lr, $3  }
0x3a: {  	_ = 	snop  }
0x3b: {  	_ = 	snop  }
0x3c: {  	p2 =	seq.s32 s10, $0x1;
	s10 =	sld [smem:$0x3FB9]  }
0x3d: {  	_ =	shalt  }
0x3e: {  	_ =	shalt  }
0x3f: {  	_ =	shalt  }
0x40: {  	_ =	shalt  }
0x41: {  	_ =	shalt  }
0x42: {  	_ =	shalt  }
0x43: {  	_ =	shalt  }
0x44: {  	_ =	shalt  }
0x45: {  	_ =	shalt  }
0x46: {  	_ =	shalt  }
0x47: {  	_ =	shalt  }
0x48: {  	_ =	shalt  }
0x49: {  	_ =	shalt  }
0x4a: {  	_ =	shalt  }
0x4b: {  	_ =	shalt  }
0x4c: {  	_ =	shalt  }
0x4d: {  	_ =	shalt  }
0x4e: {  	_ =	shalt  }
0x4f: {  	_ =	shalt  }
0x50: {  	_ =	shalt  }
0x51: {  	_ =	shalt  }
0x52: {  	_ =	shalt  }
0x53: {  	_ =	shalt  }
0x54: {  	_ =	shalt  }
0x55: {  	_ =	shalt  }
0x56: {  	_ =	shalt  }
0x57: {  	_ =	shalt  }
0x58: {  	_ =	shalt  }
0x59: {  	_ =	shalt  }
0x5a: {  	_ =	shalt  }
0x5b: {  	_ =	shalt  }
0x5c: {  	_ =	shalt  }
0x5d: {  	_ =	shalt  }
0x5e: {  	_ =	shalt  }
0x5f: {  	_ =	shalt  }
0x60: {  	_ =	shalt  }
0x61: {  	_ =	shalt  }
0x62: {  	_ =	shalt  }
0x63: {  	_ =	shalt  }
0x64: {  	_ =	shalt  }
0x65: {  	_ =	shalt  }
0x66: {  	_ =	shalt  }
0x67: {  	_ =	shalt  }
0x68: {  	_ =	shalt  }
0x69: {  	_ =	shalt  }
0x6a: {  	_ =	shalt  }
0x6b: {  	_ =	shalt  }
0x6c: {  	_ =	shalt  }
0x6d: {  	_ =	shalt  }
0x6e: {  	_ =	shalt  }
0x6f: {  	_ =	shalt  }
0x70: {  	_ =	shalt  }
0x71: {  	_ =	shalt  }
0x72: {  	_ =	shalt  }
0x73: {  	_ =	shalt  }
0x74: {  	_ =	shalt  }
0x75: {  	_ =	shalt  }
0x76: {  	_ =	shalt  }
0x77: {  	_ =	shalt  }
0x78: {  	_ =	shalt  }
0x79: {  	_ =	shalt  }
0x7a: {  	_ =	shalt  }
0x7b: {  	_ =	shalt  }
0x7c: {  	_ =	shalt  }
0x7d: {  	_ =	shalt  }
0x7e: {  	_ =	shalt  }
0x7f: {  	_ =	shalt  }
0x80: {  	_ =	shalt  }
0x81: {  	_ =	shalt  }
0x82: {  	_ =	shalt  }
0x83: {  	_ =	shalt  }
0x84: {  	_ =	shalt  }
0x85: {  	_ =	shalt  }
0x86: {  	_ =	shalt  }
0x87: {  	_ =	shalt  }
.Lfunc_end0:
.L_simem_size_0:
called_computation_lowered:
.L_overlay_start_0:
0x88: {  	s2 =	sld [smem:$0x3FD9]  }
0x89: {  	s3 =	sld [smem:$0x3FFE];
	_ =	sdelay $0x1  }
0x8a: {  	s1 =	srdreg.scid  }
0x8b: {  	s0 =	sand.u32 $0x1, s1  }
0x8c: {  	s18 =	sshll.u32 s0, $0xA;
	s2 =	sadd.s32 s3, s2  }
0x8d: {  	s2 =	sadd.s32 s2, s18  }
0x8e: {  	[smem:$0x3FC5] =	sst s2  }
0x8f: {  	_ = 	snop  }
0x90: {  	s2 =	sld [smem:$0x3FC9]  }
0x91: {  	s19 =	sld [smem:$0x3FC8]  }
0x92: {  	s4 =	sld [smem:$0x3FC7]  }
0x93: {  	s5 =	sld [smem:$0x3FD0];
	(tm) =	ssettm $0x1  }
0x94: {  	s6 =	sld [smem:$0x3FFB];
	_ =	sdelay $0x3  }
0x95: {  	_ =	strace s6  }
0x96: {  	s6 =	sld [smem:$0x3FFC];
	_ =	sdelay $0x3  }
0x97: {  	_ =	strace s6  }
0x98: {  	s6 =	sld [smem:$0x3FFD];
	_ =	sdelay $0x3  }
0x99: {  	_ =	strace s6  }
0x9a: {  	_ =	strace $0x8FFFFFFF  }
0x9b: {  	s20 =	sld [smem:$0x3FDB];
	_ =	sdelay $0x1  }
0x9c: {  	s7 =	simm.s32 $_scs_section_size  }
0x9d: {  	s8 =	simm.s32 $_size__tile_overlayer_lowered;
	s9 =	simm.s32 $_tile_overlayer_lowered  }
0x9e: {  	s23 =	simm.s32 $0x1BFF;
	s22 =	sshll.u32 s9, $0x1;
	s6 =	sadd.s32 s7, s20  }
0x9f: {  	s10 =	simm.s32 $0x0;
	s21 =	sshll.u32 s8, $0x1;
	s8 =	sadd.s32 s22, s6  }
0xa0: {  	[timem:s10], [sflag:s23] =	dma.local [hbm:s8], s21  }
0xa1: {  	_ =	swait.ge [sflag:s23], s21  }
0xa2: {  	s7 =	ssub.s32 $0x0, s21;
	[sflag:s23] =	ssyncset.done $0x0  }
0xa3: {  	[sflag:s23] =	ssyncadd.s32 s7;
	_ =	sdelay $0x1  }
0xa4: {  	s24 =	simm.s32 $0x1B8B  }
0xa5: {  	_ =	swait.ge [sflag:s24], $0x1  }
0xa6: {  	[sflag:s24] =	ssyncset.done $0x0  }
0xa7: {  	s25 =	simm.s32 $0x1B8E;
	[sflag:s24] =	ssyncadd.s32 $0xFFFFFFFF  }
0xa8: {  	s26 =	simm.s32 $execute0_lowered;
	[smem:$0x3FD2] =	sst s25  }
0xa9: {  	s7 =	sshll.u32 s26, $0x1;
	_ =	strace $0x80000046;
	[dreg:$0x1] =	wrdreg $0xFFFFFFFF  }
0xaa: {  	s28 =	simm.s32 $_size_execute0_lowered;
	s6 =	sadd.s32 s6, s7;
	[dreg:$0x0] =	wrdreg $0x0  }
0xab: {  	s7 =	sshll.u32 s28, $0x1;
	[dreg:$0x2] =	wrdreg s6  }
0xac: {  	[dreg:$0x3] =	wrdreg s7  }
0xad: {  	[dreg:$0x4] =	wrdreg $0xC0  }
0xae: {  	_ =	task [dreg:s10], $0x5FFFF  }
0xaf: {  	[dreg:$0x1] =	wrdreg $0xFFFFFFFF  }
0xb0: {  	[dreg:$0x0] =	wrdreg $0x60  }
0xb1: {  	[dreg:$0x2] =	wrdreg s2  }
0xb2: {  	[dreg:$0x3] =	wrdreg s19  }
0xb3: {  	[dreg:$0x4] =	wrdreg s4  }
0xb4: {  	[dreg:$0x5] =	wrdreg s5  }
0xb5: {  	[dreg:$0x6] =	wrdreg $0x9  }
0xb6: {  	_ =	task.clear_ibuf [dreg:s10], $0x7FFFF;
	_ =	strace $0x90000046  }
0xb7: {  	s29 =	simm.s32 $0x9;
	_ =	strace $0x80000048  }
0xb8: {  	_ =	swait.ge [sflag:s29], $0x1  }
0xb9: {  	[sflag:s29] =	ssyncadd.s32 $0xFFFFFFFF  }
0xba: {  	_ =	strace $0x90000048  }
0xbb: {  	_ =	sfence  }
0xbc: {  	s30 =	sld [smem:$0x0];
	_ =	sdelay $0x2  }
0xbd: {  	s31 =	sshll.u32 s1, $0xD;
	s1 =	sshrl.u32 s1, $0x2  }
0xbe: {  	s3 =	sand.u32 $0x4000, s31;
	s1 =	sadd.s32 s1, s30  }
0xbf: {  	s0 =	sor.u32 s3, s0;
	s1 =	sshll.u32 s1, $0x11  }
0xc0: {  	s0 =	sor.u32 s1, s0  }
0xc1: {  	s0 =	sadd.s32 $0x8F2B, s0  }
0xc2: {  	[sflag:s0] =	ssyncadd.remote.s32 $0x1  }
0xc3: {  	_ =	sfence.sel $0xFFFF  }
0xc4: {  	[dreg:$0x0] =	wrdreg $0xFFFFFFFF;
	(pc) =	sbr.abs _section_cstart, $3  }
0xc5: {  	[dreg:$0x1] =	wrdreg $0xFFFFFFFF  }
0xc6: {  	_ =	task.clear_ibuf [dreg:s10], $0x2FFFF;
	_ =	strace $0x9FFFFFFF  }
0xc7: {  	(tm) =	ssettm $0x7FFFFFFF  }
tec
execute0_lowered:
.L_overlay_start_1:
0x0: {  	(tag) =	ssettag $0x1  }
0x1: {  	s1 =	rddreg [dreg:$0x0]  }
0x2: {  	s2 =	rddreg [dreg:$0x1]  }
0x3: {  	s8 =	rddreg [dreg:$0x2]  }
0x4: {  	s0 =	rddreg [dreg:$0x3];
	s5 =	srdreg.scid  }
0x5: {  	s4 =	simm.s32 $0x0;
	s3 =	stileid.u32;
	s5 =	sand.u32 $0x1, s5  }
0x6: {  	s7 =	sshll.u32 s3, $0xA;
	s6 =	ssub.s32 $0x2, s5;
	s5 =	sshll.u32 s5, $0x9  }
0x7: {  	[smem:$0x7FF] =	sst s4;
	s9 =	sshrl.u32 s6, $0x1;
	s12 =	sor.u32 s5, s7  }
0x8: {  	_ =	strace $0x80000047;
	s11 =	ssub.s32 s6, s9;
	s5 =	sshrl.u32 s12, $0x3  }
0x9: {  	s3 =	sor.u32 $0x80, s12;
	s10 =	sor.u32 $0x100, s12;
	s17 =	sor.u32 $0x180, s12  }
0xa: {  	s30 =	sor.u32 $0x10, s12;
	s14 =	sor.u32 $0x20, s12;
	s15 =	sor.u32 $0x30, s12  }
0xb: {  	s16 =	sor.u32 $0x40, s12;
	s18 =	sor.u32 $0x50, s12;
	s19 =	sor.u32 $0x60, s12  }
0xc: {  	s20 =	sor.u32 $0x70, s12;
	s21 =	sor.u32 $0x90, s12;
	s22 =	sor.u32 $0xA0, s12  }
0xd: {  	s23 =	sor.u32 $0xB0, s12;
	s24 =	sor.u32 $0xC0, s12;
	s25 =	sor.u32 $0xD0, s12  }
0xe: {  	s26 =	sor.u32 $0xE0, s12;
	s31 =	sor.u32 $0x110, s12;
	s5 =	sadd.s32 s8, s5  }
0xf: {  	v31 =	vlaneseq.u32;
	s28 =	sshrl.u32 s3, $0x3;
	s29 =	sshrl.u32 s10, $0x3;
	s13 =	sshrl.u32 s17, $0x3  }
0x10: {  	v1 =	vor.u32 s14, v31;
	v2 =	vor.u32 s15, v31;
	s14 =	sor.u32 $0x120, s12;
	s15 =	sor.u32 $0x130, s12;
	v3 =	vor.u32 s16, v31;
	s16 =	sor.u32 $0x140, s12  }
0x11: {  	v4 =	vor.u32 s18, v31;
	v5 =	vor.u32 s19, v31;
	s18 =	sor.u32 $0x150, s12;
	s19 =	sor.u32 $0x160, s12;
	v6 =	vor.u32 s20, v31;
	s20 =	sor.u32 $0x170, s12  }
0x12: {  	v7 =	vor.u32 s3, v31;
	v8 =	vor.u32 s21, v31;
	s21 =	sor.u32 $0x190, s12;
	v10 =	vor.u32 s23, v31;
	s23 =	sor.u32 $0x1B0, s12;
	s3 =	sor.u32 $0x1C0, s12  }
0x13: {  	v0 =	vor.u32 s30, v31;
	v11 =	vor.u32 s24, v31;
	s24 =	sshll.u32 s12, $0x3;
	v13 =	vor.u32 s26, v31;
	s26 =	sor.u32 $0x1D0, s12;
	s30 =	sor.u32 $0x1E0, s12  }
0x14: {  	v16 =	vor.u32 s31, v31;
	s31 =	sor.u32 $0x1F0, s12;
	s11 =	smax.u32 s11, $0x1;
	v24 =	vor.u32 s17, v31;
	s17 =	simm.s32 $0x200  }
0x15: {  	v9 =	vor.u32 s22, v31;
	v12 =	vor.u32 s25, v31;
	s22 =	simm.s32 $0x1;
	s25 =	simm.s32 $0x0;
	s6 =	sadd.s32 s8, s28  }
0x16: {  	v32 =	vimm.f32 $0.0e+00;
	v17 =	vor.u32 s12, v31;
	s7 =	sadd.s32 s8, s29;
	s8 =	sadd.s32 s8, s13;
	s28 =	sor.u32 $0xF0, s12  }
0x17: {  	v15 =	vor.u32 s10, v31;
	s29 =	sor.u32 $0x1A0, s12;
	s9 =	sadd.s32 s0, s24;
	v18 =	vor.u32 s14, v31;
	v19 =	vor.u32 s15, v31;
	s12 =	simm.s32 $0x2  }
0x18: {  	v20 =	vor.u32 s16, v31;
	s13 =	simm.s32 $0x80;
	v21 =	vor.u32 s18, v31;
	v22 =	vor.u32 s19, v31;
	s14 =	simm.s32 $0x100;
	s15 =	simm.s32 $0x180  }
0x19: {  	v23 =	vor.u32 s20, v31;
	s16 =	simm.s32 $0x400;
	v25 =	vor.u32 s21, v31;
	s18 =	simm.s32 $0x8400;
	s19 =	simm.s32 $0x4400;
	v27 =	vor.u32 s23, v31  }
0x1a: {  	v28 =	vor.u32 s3, v31;
	v29 =	vor.u32 s26, v31;
	s20 =	simm.s32 $0x280;
	s21 =	simm.s32 $0xC400;
	v14 =	vor.u32 s28, v31;
	s28 =	sshll.u32 s10, $0x3  }
0x1b: {  	v30 =	vor.u32 s30, v31;
	s23 =	simm.s32 $0x300;
	s24 =	simm.s32 $0x380;
	v26 =	vor.u32 s29, v31;
	v31 =	vor.u32 s31, v31;
	s10 =	sadd.s32 s0, s28  }
.LBB2_1:
0x1c: {  	[tilespmem:s4], [sflag:$0x2] =	stream.linear.gather [hbm4b:s5+s4], $0x80, $0x38;
	[tilespmem:$0x10400] =	vst v63  }
0x1d: {  	_ =	swait.ge [sflag:s12], $0x80  }
0x1e: {  	[sflag:s12] =	ssyncset.done $0x0  }
0x1f: {  	[sflag:s12] =	ssyncadd.s32 $0xFFFFFF80  }
0x20: {  	[tilespmem:s13], [sflag:$0x2] =	stream.linear.gather [hbm4b:s6+s4], $0x80, $0x38;
	[tilespmem:$0x10400] =	vst v63  }
0x21: {  	_ =	swait.ge [sflag:s12], $0x80  }
0x22: {  	[sflag:s12] =	ssyncset.done $0x0  }
0x23: {  	[sflag:s12] =	ssyncadd.s32 $0xFFFFFF80  }
0x24: {  	[tilespmem:s14], [sflag:$0x2] =	stream.linear.gather [hbm4b:s7+s4], $0x80, $0x38;
	[tilespmem:$0x10400] =	vst v63  }
0x25: {  	_ =	swait.ge [sflag:s12], $0x80  }
0x26: {  	[sflag:s12] =	ssyncset.done $0x0  }
0x27: {  	[sflag:s12] =	ssyncadd.s32 $0xFFFFFF80  }
0x28: {  	[tilespmem:s15], [sflag:$0x2] =	stream.linear.gather [hbm4b:s8+s4], $0x80, $0x38;
	[tilespmem:$0x10400] =	vst v63  }
0x29: {  	_ =	swait.ge [sflag:s12], $0x80  }
0x2a: {  	[sflag:s12] =	ssyncset.done $0x0  }
0x2b: {  	[sflag:s12] =	ssyncadd.s32 $0xFFFFFF80  }
0x2c: {  	v33 =	vld [tilespmem:$0x0]  }
0x2d: {  	v34 =	vld [tilespmem:$0x10]  }
0x2e: {  	v35 =	vld [tilespmem:$0x20]  }
0x2f: {  	v36 =	vld [tilespmem:$0x30]  }
0x30: {  	v37 =	vld [tilespmem:$0x40]  }
0x31: {  	v38 =	vld [tilespmem:$0x50];
	vm0 =	vlt.s32 v33, $0x4000  }
0x32: {  	v39 =	vld [tilespmem:$0x60];
	vm9 =	vlt.s32 v34, $0x4000;
	v33 =	vsel vm0, v33, v17  }
0x33: {  	v53 =	vld [tilespmem:$0x70];
	vm10 =	vlt.s32 v35, $0x4000;
	v52 =	vsel vm9, v34, v0;
	[tilespmem:$0x200] =	vst v33  }
0x34: {  	v55 =	vld [tilespmem:$0x80];
	vm11 =	vlt.s32 v36, $0x4000;
	v54 =	vsel vm10, v35, v1;
	[tilespmem:$0x210] =	vst v52  }
0x35: {  	v57 =	vld [tilespmem:$0x90];
	vm12 =	vlt.s32 v37, $0x4000;
	v56 =	vsel vm11, v36, v2;
	[tilespmem:$0x220] =	vst v54  }
0x36: {  	v59 =	vld [tilespmem:$0xA0];
	vm13 =	vlt.s32 v38, $0x4000;
	v58 =	vsel vm12, v37, v3;
	[tilespmem:$0x230] =	vst v56  }
0x37: {  	v61 =	vld [tilespmem:$0xB0];
	vm14 =	vlt.s32 v39, $0x4000;
	v60 =	vsel vm13, v38, v4;
	[tilespmem:$0x240] =	vst v58  }
0x38: {  	v63 =	vld [tilespmem:$0xC0];
	vm15 =	vlt.s32 v53, $0x4000;
	v62 =	vsel vm14, v39, v5;
	[tilespmem:$0x250] =	vst v60  }
0x39: {  	v43 =	vld [tilespmem:$0xD0];
	vm4 =	vlt.s32 v55, $0x4000;
	v42 =	vsel vm15, v53, v6;
	[tilespmem:$0x260] =	vst v62  }
0x3a: {  	v45 =	vld [tilespmem:$0xE0];
	vm5 =	vlt.s32 v57, $0x4000;
	v44 =	vsel vm4, v55, v7;
	[tilespmem:$0x270] =	vst v42  }
0x3b: {  	v47 =	vld [tilespmem:$0xF0];
	vm6 =	vlt.s32 v59, $0x4000;
	v46 =	vsel vm5, v57, v8;
	[tilespmem:$0x280] =	vst v44  }
0x3c: {  	v49 =	vld [tilespmem:$0x100];
	vm7 =	vlt.s32 v61, $0x4000;
	v48 =	vsel vm6, v59, v9;
	[tilespmem:$0x290] =	vst v46  }
0x3d: {  	v51 =	vld [tilespmem:$0x110];
	vm8 =	vlt.s32 v63, $0x4000;
	v50 =	vsel vm7, v61, v10;
	[tilespmem:$0x2A0] =	vst v48  }
0x3e: {  	vm9 =	vlt.s32 v43, $0x4000;
	v53 =	vld [tilespmem:$0x120];
	[tilespmem:$0x2B0] =	vst v50;
	v52 =	vsel vm8, v63, v11  }
0x3f: {  	vm10 =	vlt.s32 v45, $0x4000;
	v55 =	vld [tilespmem:$0x130];
	v54 =	vsel vm9, v43, v12;
	[tilespmem:$0x2C0] =	vst v52  }
0x40: {  	vm11 =	vlt.s32 v47, $0x4000;
	v57 =	vld [tilespmem:$0x140];
	v56 =	vsel vm10, v45, v13;
	[tilespmem:$0x2D0] =	vst v54  }
0x41: {  	vm12 =	vlt.s32 v49, $0x4000;
	v59 =	vld [tilespmem:$0x150];
	v58 =	vsel vm11, v47, v14;
	[tilespmem:$0x2E0] =	vst v56  }
0x42: {  	vm13 =	vlt.s32 v51, $0x4000;
	v61 =	vld [tilespmem:$0x160];
	v60 =	vsel vm12, v49, v15;
	[tilespmem:$0x2F0] =	vst v58  }
0x43: {  	v62 =	vsel vm13, v51, v16;
	v63 =	vld [tilespmem:$0x170];
	[tilespmem:$0x300] =	vst v60;
	vm14 =	vlt.s32 v53, $0x4000  }
0x44: {  	v43 =	vld [tilespmem:$0x180];
	[tilespmem:$0x310] =	vst v62;
	vm15 =	vlt.s32 v55, $0x4000;
	v42 =	vsel vm14, v53, v18  }
0x45: {  	v45 =	vld [tilespmem:$0x190];
	vm4 =	vlt.s32 v57, $0x4000;
	v44 =	vsel vm15, v55, v19;
	[tilespmem:$0x320] =	vst v42  }
0x46: {  	v47 =	vld [tilespmem:$0x1A0];
	vm5 =	vlt.s32 v59, $0x4000;
	v46 =	vsel vm4, v57, v20;
	[tilespmem:$0x330] =	vst v44  }
0x47: {  	v49 =	vld [tilespmem:$0x1B0];
	vm6 =	vlt.s32 v61, $0x4000;
	v48 =	vsel vm5, v59, v21;
	[tilespmem:$0x340] =	vst v46  }
0x48: {  	v51 =	vld [tilespmem:$0x1C0];
	v50 =	vsel vm6, v61, v22;
	vm7 =	vlt.s32 v63, $0x4000;
	[tilespmem:$0x350] =	vst v48  }
0x49: {  	vm8 =	vlt.s32 v43, $0x4000;
	v53 =	vld [tilespmem:$0x1D0];
	[tilespmem:$0x360] =	vst v50;
	v52 =	vsel vm7, v63, v23  }
0x4a: {  	vm9 =	vlt.s32 v45, $0x4000;
	v55 =	vld [tilespmem:$0x1E0];
	v54 =	vsel vm8, v43, v24;
	[tilespmem:$0x370] =	vst v52  }
0x4b: {  	vm10 =	vlt.s32 v47, $0x4000;
	v57 =	vld [tilespmem:$0x1F0];
	v56 =	vsel vm9, v45, v25;
	[tilespmem:$0x380] =	vst v54  }
0x4c: {  	vm11 =	vlt.s32 v49, $0x4000;
	v58 =	vsel vm10, v47, v26;
	[tilespmem:$0x390] =	vst v56  }
0x4d: {  	vm12 =	vlt.s32 v51, $0x4000;
	v59 =	vsel vm11, v49, v27;
	[tilespmem:$0x3A0] =	vst v58  }
0x4e: {  	v60 =	vsel vm12, v51, v28;
	[tilespmem:$0x3B0] =	vst v59;
	vm13 =	vlt.s32 v53, $0x4000  }
0x4f: {  	[tilespmem:$0x3C0] =	vst v60;
	vm14 =	vlt.s32 v55, $0x4000;
	v61 =	vsel vm13, v53, v29  }
0x50: {  	vm15 =	vlt.s32 v57, $0x4000;
	v62 =	vsel vm14, v55, v30;
	[tilespmem:$0x3D0] =	vst v61  }
0x51: {  	v63 =	vsel vm15, v57, v31;
	[tilespmem:$0x3E0] =	vst v62  }
0x52: {  	[tilespmem:$0x3F0] =	vst v63  }
0x53: {  	[tilespmem:s16], [sflag:$0x1] =	stream.indirect.gather [hbm4b:s1+s13], $0x80, s4, s13, $0xb8;
	[tilespmem:$0x10400] =	vst v63  }
0x54: {  	_ = 	snop  }
0x55: {  	[tilespmem:s18], [sflag:$0x1] =	stream.indirect.gather [hbm4b:s2+s13], $0x80, s17, s13, $0xb8;
	[tilespmem:$0x10400] =	vst v63  }
0x56: {  	_ = 	snop  }
0x57: {  	[tilespmem:s19], [sflag:$0x1] =	stream.indirect.gather [hbm4b:s1+s13], $0x80, s13, s13, $0xb8;
	[tilespmem:$0x10400] =	vst v63  }
0x58: {  	_ = 	snop  }
0x59: {  	[tilespmem:s21], [sflag:$0x1] =	stream.indirect.gather [hbm4b:s2+s13], $0x80, s20, s13, $0xb8;
	[tilespmem:$0x10400] =	vst v63  }
0x5a: {  	_ =	swait.ge [sflag:s22], $0x4000  }
0x5b: {  	[sflag:s22] =	ssyncset.done $0x0  }
0x5c: {  	[sflag:s22] =	ssyncadd.s32 $0xFFFFC000  }
0x5d: {  	_ =	swait.ge [sflag:s22], $0x4000  }
0x5e: {  	[sflag:s22] =	ssyncset.done $0x0  }
0x5f: {  	[sflag:s22] =	ssyncadd.s32 $0xFFFFC000  }
0x60: {  	_ =	swait.ge [sflag:s22], $0x4000  }
.Ltmp0:
0x61: {  	[sflag:s22] =	ssyncset.done $0x0;
	(pc) =	sbr.rel .LBB2_2-.Ltmp0, $4  }
0x62: {  	[sflag:s22] =	ssyncadd.s32 $0xFFFFC000  }
0x63: {  	_ =	swait.ge [sflag:s22], $0x4000  }
0x64: {  	[sflag:s22] =	ssyncset.done $0x0  }
0x65: {  	s26 =	simm.s32 $0x0;
	s28 =	simm.s32 $0x0;
	[sflag:s22] =	ssyncadd.s32 $0xFFFFC000  }
.LBB2_6:
0x66: {  	s28 =	sadd.s32 $0x1, s28  }
0x67: {  	p0 =	sne.s32 s28, $0x10  }
.Ltmp1:
0x68: {  	_ = 	snop;
	(pc) =	sbr.rel @!p0 .LBB2_7-.Ltmp1, $2  }
0x69: {  	_ =	sdelay $0x2  }
0x6a: {  	s26 =	sadd.s32 $0x10, s26  }
.LBB2_2:
0x6b: {  	s0 =	sshll.u32 s28, $0x4  }
0x6c: {  	s29 =	sand.u32 $0xF0, s0  }
0x6d: {  	v33 =	vld [tilespmem:s29+$0x0];
	_ =	sdelay $0x4  }
0x6e: {  	vm0 =	vlt.s32 v33, $0x4000  }
0x6f: {  	v33 =	vsel vm0, $0x3F800000, v32  }
0x70: {  	(xrf0) =	vmax.scan.msk.f32 $0xffff, v33;
	_ =	sdelay $0x5  }
0x71: {  	v33, _, _ =	vpop (xrf0)  }
0x72: {  	(v2sf) =	vpush v33, $0xF;
	_ =	sdelay $0xe  }
0x73: {  	s31 =	spop (v2sf)  }
0x74: {  	p0 =	sgt.f32 s31, $0.0e+00  }
.Ltmp2:
0x75: {  	_ = 	snop;
	(pc) =	sbr.rel @!p0 .LBB2_6-.Ltmp2, $1  }
0x76: {  	_ =	sdelay $0x3  }
0x77: {  	s29 =	sadd.s32 $0x0, s26  }
0x78: {  	s0 =	sand.u32 $0xFFFFFF80, s0;
	v34 =	vmov s29  }
0x79: {  	v33 =	vmov s0;
	v34 =	vand.u32 $0x7F, v34  }
0x7a: {  	v34 =	vor.u32 v33, v34  }
0x7b: {  	v34 =	vbroadcast v34, $0x0;
	_ =	sdelay $0x5  }
0x7c: {  	v34 =	vld.idx.msk [tilespmem:v34+s4+$0x0], $0xffff;
	_ =	sdelay $0x4  }
0x7d: {  	vm0 =	vlt.s32 v34, $0x4000  }
0x7e: {  	v35 =	vsel vm0, $0x3F800000, v32  }
0x7f: {  	(xrf0) =	vmax.scan.msk.f32 $0xffff, v35;
	_ =	sdelay $0x5  }
0x80: {  	v35, _, _ =	vpop (xrf0)  }
0x81: {  	(v2sf) =	vpush v35, $0xF;
	_ =	sdelay $0xe  }
0x82: {  	s30 =	spop (v2sf)  }
0x83: {  	p0 =	sgt.f32 s30, $0.0e+00;
	_ =	sdelay $0x1  }
0x84: {  	s0 =	sshll.u32 @p0 s29, $0x7;
	v35 =	vlaneseq.u32 @p0  }
0x85: {  	v36 =	vor.u32 @p0 s0, v35;
	_ =	sdelay $0x3  }
0x86: {  	s31 =	simm.s32 @p0 $0x400  }
0x87: {  	s30 =	simm.s32 @p0 $0x8400;
	v37 =	vld.idx.msk @p0 [tilespmem:v36+s31+$0x0], $0xffff  }
0x88: {  	v38 =	vld.idx.msk @p0 [tilespmem:v36+s30+$0x0], $0xffff  }
0x89: {  	v39 =	vor.u32 @p0 $0x10, v35  }
0x8a: {  	v39 =	vor.u32 @p0 s0, v39;
	_ =	sdelay $0x1  }
0x8b: {  	vm0 =	vlt.s32 @p0 v34, $0x4000  }
0x8c: {  	v34 =	vsel @p0 vm0, v38, v37  }
0x8d: {  	[tilespmem:v36+s31+$0x0] =	vst.idx.msk @p0 $0xffff, v34  }
0x8e: {  	v34 =	vld.idx.msk @p0 [tilespmem:v39+s31+$0x0], $0xffff  }
0x8f: {  	v36 =	vld.idx.msk @p0 [tilespmem:v39+s30+$0x0], $0xffff  }
0x90: {  	v37 =	vor.u32 @p0 $0x20, v35  }
0x91: {  	v37 =	vor.u32 @p0 s0, v37;
	_ =	sdelay $0x2  }
0x92: {  	v34 =	vsel @p0 vm0, v36, v34  }
0x93: {  	[tilespmem:v39+s31+$0x0] =	vst.idx.msk @p0 $0xffff, v34  }
0x94: {  	v36 =	vld.idx.msk @p0 [tilespmem:v37+s31+$0x0], $0xffff  }
0x95: {  	v38 =	vld.idx.msk @p0 [tilespmem:v37+s30+$0x0], $0xffff  }
0x96: {  	v34 =	vor.u32 @p0 $0x30, v35  }
0x97: {  	v34 =	vor.u32 @p0 s0, v34;
	_ =	sdelay $0x2  }
0x98: {  	s0 =	sadd.s32 $0x1, s26;
	v35 =	vsel @p0 vm0, v38, v36  }
0x99: {  	v63 =	vmov s0;
	[tilespmem:v37+s31+$0x0] =	vst.idx.msk @p0 $0xffff, v35  }
0x9a: {  	v36 =	vand.u32 $0x7F, v63;
	v35 =	vld.idx.msk @p0 [tilespmem:v34+s31+$0x0], $0xffff  }
0x9b: {  	v36 =	vor.u32 v33, v36;
	v37 =	vld.idx.msk @p0 [tilespmem:v34+s30+$0x0], $0xffff  }
0x9c: {  	s29 =	simm.s32 $0x2;
	v36 =	vbroadcast v36, $0x0  }
.LBB2_4:
0x9d: {  	s30 =	smov.u32 s29;
	s29 =	sadd.s32 $0x1, s29  }
0x9e: {  	p1 =	sne.s32 s29, $0x10;
	_ =	sdelay $0x1  }
0x9f: {  	v35 =	vsel @p0 vm0, v37, v35  }
0xa0: {  	[tilespmem:v34+s31+$0x0] =	vst.idx.msk @p0 $0xffff, v35  }
0xa1: {  	v34 =	vld.idx.msk [tilespmem:v36+s4+$0x0], $0xffff;
	_ =	sdelay $0x5  }
0xa2: {  	vm0 =	vlt.s32 v34, $0x4000  }
0xa3: {  	v35 =	vsel vm0, $0x3F800000, v32  }
0xa4: {  	(xrf0) =	vmax.scan.msk.f32 $0xffff, v35;
	_ =	sdelay $0x5  }
0xa5: {  	v35, _, _ =	vpop (xrf0)  }
0xa6: {  	(v2sf) =	vpush v35, $0xF;
	_ =	sdelay $0xe  }
0xa7: {  	s31 =	spop (v2sf)  }
0xa8: {  	p0 =	sgt.f32 s31, $0.0e+00;
	_ =	sdelay $0x1  }
0xa9: {  	s0 =	sshll.u32 @p0 s0, $0x7;
	v35 =	vlaneseq.u32 @p0  }
0xaa: {  	v36 =	vor.u32 @p0 s0, v35;
	v37 =	vor.u32 @p0 $0x10, v35;
	v38 =	vor.u32 @p0 $0x20, v35  }
0xab: {  	v35 =	vor.u32 @p0 $0x30, v35;
	_ =	sdelay $0x2  }
0xac: {  	s31 =	simm.s32 @p0 $0x400  }
0xad: {  	s3 =	simm.s32 @p0 $0x8400;
	v39 =	vld.idx.msk @p0 [tilespmem:v36+s31+$0x0], $0xffff  }
0xae: {  	v40 =	vld.idx.msk @p0 [tilespmem:v36+s3+$0x0], $0xffff;
	_ =	sdelay $0x2  }
0xaf: {  	v37 =	vor.u32 @p0 s0, v37  }
0xb0: {  	vm0 =	vlt.s32 @p0 v34, $0x4000;
	_ =	sdelay $0x1  }
0xb1: {  	v34 =	vsel @p0 vm0, v40, v39  }
0xb2: {  	[tilespmem:v36+s31+$0x0] =	vst.idx.msk @p0 $0xffff, v34  }
0xb3: {  	v34 =	vld.idx.msk @p0 [tilespmem:v37+s31+$0x0], $0xffff  }
0xb4: {  	v36 =	vld.idx.msk @p0 [tilespmem:v37+s3+$0x0], $0xffff;
	_ =	sdelay $0x2  }
0xb5: {  	v38 =	vor.u32 @p0 s0, v38;
	_ =	sdelay $0x2  }
0xb6: {  	v34 =	vsel @p0 vm0, v36, v34  }
0xb7: {  	[tilespmem:v37+s31+$0x0] =	vst.idx.msk @p0 $0xffff, v34  }
0xb8: {  	v36 =	vld.idx.msk @p0 [tilespmem:v38+s31+$0x0], $0xffff  }
0xb9: {  	v37 =	vld.idx.msk @p0 [tilespmem:v38+s3+$0x0], $0xffff;
	_ =	sdelay $0x2  }
0xba: {  	v34 =	vor.u32 @p0 s0, v35;
	_ =	sdelay $0x2  }
0xbb: {  	v35 =	vsel @p0 vm0, v37, v36  }
.Ltmp3:
0xbc: {  	s0 =	sadd.s32 s30, s26;
	[tilespmem:v38+s31+$0x0] =	vst.idx.msk @p0 $0xffff, v35;
	(pc) =	sbr.rel @p1 .LBB2_4-.Ltmp3, $4  }
0xbd: {  	v36 =	vmov s0;
	v35 =	vld.idx.msk @p0 [tilespmem:v34+s31+$0x0], $0xffff  }
0xbe: {  	v36 =	vand.u32 $0x7F, v36;
	v37 =	vld.idx.msk @p0 [tilespmem:v34+s3+$0x0], $0xffff  }
0xbf: {  	v36 =	vor.u32 v33, v36  }
0xc0: {  	v36 =	vbroadcast v36, $0x0  }
0xc1: {  	_ =	sdelay $0x2  }
0xc2: {  	v33 =	vsel @p0 vm0, v37, v35  }
0xc3: {  	[tilespmem:v34+s31+$0x0] =	vst.idx.msk @p0 $0xffff, v33  }
0xc4: {  	v33 =	vld.idx.msk [tilespmem:v36+s4+$0x0], $0xffff;
	_ =	sdelay $0x4  }
0xc5: {  	vm15 =	vlt.s32 v33, $0x4000  }
0xc6: {  	v63 =	vsel vm15, $0x3F800000, v32  }
0xc7: {  	(xrf0) =	vmax.scan.msk.f32 $0xffff, v63;
	_ =	sdelay $0x5  }
0xc8: {  	v34, _, _ =	vpop (xrf0)  }
0xc9: {  	(v2sf) =	vpush v34, $0xF;
	_ =	sdelay $0xe  }
0xca: {  	s3 =	spop (v2sf)  }
0xcb: {  	p0 =	sgt.f32 s3, $0.0e+00;
	_ =	sdelay $0x1  }
0xcc: {  	s0 =	sshll.u32 @p0 s0, $0x7;
	v34 =	vlaneseq.u32 @p0  }
0xcd: {  	v35 =	vor.u32 @p0 s0, v34;
	_ =	sdelay $0x3  }
0xce: {  	s3 =	simm.s32 @p0 $0x400  }
0xcf: {  	s29 =	simm.s32 @p0 $0x8400;
	v36 =	vld.idx.msk @p0 [tilespmem:v35+s3+$0x0], $0xffff  }
0xd0: {  	v37 =	vld.idx.msk @p0 [tilespmem:v35+s29+$0x0], $0xffff  }
0xd1: {  	v38 =	vor.u32 @p0 $0x10, v34  }
0xd2: {  	v38 =	vor.u32 @p0 s0, v38;
	_ =	sdelay $0x1  }
0xd3: {  	vm0 =	vlt.s32 @p0 v33, $0x4000  }
0xd4: {  	v33 =	vsel @p0 vm0, v37, v36  }
0xd5: {  	[tilespmem:v35+s3+$0x0] =	vst.idx.msk @p0 $0xffff, v33  }
0xd6: {  	v33 =	vld.idx.msk @p0 [tilespmem:v38+s3+$0x0], $0xffff  }
0xd7: {  	v35 =	vld.idx.msk @p0 [tilespmem:v38+s29+$0x0], $0xffff  }
0xd8: {  	v36 =	vor.u32 @p0 $0x20, v34  }
0xd9: {  	v36 =	vor.u32 @p0 s0, v36;
	_ =	sdelay $0x2  }
0xda: {  	v33 =	vsel @p0 vm0, v35, v33  }
0xdb: {  	[tilespmem:v38+s3+$0x0] =	vst.idx.msk @p0 $0xffff, v33  }
0xdc: {  	v33 =	vld.idx.msk @p0 [tilespmem:v36+s3+$0x0], $0xffff  }
0xdd: {  	v35 =	vld.idx.msk @p0 [tilespmem:v36+s29+$0x0], $0xffff  }
0xde: {  	v34 =	vor.u32 @p0 $0x30, v34  }
0xdf: {  	v34 =	vor.u32 @p0 s0, v34;
	_ =	sdelay $0x2  }
0xe0: {  	v33 =	vsel @p0 vm0, v35, v33  }
0xe1: {  	[tilespmem:v36+s3+$0x0] =	vst.idx.msk @p0 $0xffff, v33  }
0xe2: {  	v33 =	vld.idx.msk @p0 [tilespmem:v34+s3+$0x0], $0xffff  }
0xe3: {  	v35 =	vld.idx.msk @p0 [tilespmem:v34+s29+$0x0], $0xffff;
	_ =	sdelay $0x1  }
.Ltmp4:
0xe4: {  	_ = 	snop;
	(pc) =	sbr.rel .LBB2_6-.Ltmp4, $3  }
0xe5: {  	_ =	sdelay $0x1  }
0xe6: {  	v33 =	vsel @p0 vm0, v35, v33  }
0xe7: {  	[tilespmem:v34+s3+$0x0] =	vst.idx.msk @p0 $0xffff, v33  }
.LBB2_7:
0xe8: {  	s0 =	simm.s32 $0x400  }
0xe9: {  	s26 =	simm.s32 $0x8;
	s29 =	sadd.s32 $0x0, s9;
	s28 =	simm.s32 $0x480  }
.LBB2_8:
0xea: {  	[hbm4b:s29+s4] =	stream.linear.scatter [tilespmem:s0], [sflag:$0x2], $0x40, $0x38;
	[tilespmem:$0x10400] =	vst v63  }
0xeb: {  	s3 =	smov.u32 s26;
	s0 =	smov.u32 s28;
	p0 =	sne.s32 s26, $0x7F8  }
.Ltmp5:
0xec: {  	s26 =	sadd.s32 $0x8, s26;
	(pc) =	sbr.rel @p0 .LBB2_8-.Ltmp5, $2  }
0xed: {  	_ =	sdelay $0x2  }
0xee: {  	s28 =	sadd.s32 $0x80, s28;
	s29 =	sadd.s32 s3, s9  }
0xef: {  	[hbm4b:s29+s4] =	stream.linear.scatter [tilespmem:s0], [sflag:$0x2], $0x40, $0x38;
	[tilespmem:$0x10400] =	vst v63  }
0xf0: {  	_ =	swait.ge [sflag:s12], $0x4000  }
0xf1: {  	[sflag:s12] =	ssyncset.done $0x0  }
0xf2: {  	[sflag:s12] =	ssyncadd.s32 $0xFFFFC000  }
0xf3: {  	[tilespmem:s16], [sflag:$0x1] =	stream.indirect.gather [hbm4b:s1+s13], $0x80, s14, s13, $0xb8;
	[tilespmem:$0x10400] =	vst v63  }
0xf4: {  	_ = 	snop  }
0xf5: {  	[tilespmem:s18], [sflag:$0x1] =	stream.indirect.gather [hbm4b:s2+s13], $0x80, s23, s13, $0xb8;
	[tilespmem:$0x10400] =	vst v63  }
0xf6: {  	_ = 	snop  }
0xf7: {  	[tilespmem:s19], [sflag:$0x1] =	stream.indirect.gather [hbm4b:s1+s13], $0x80, s15, s13, $0xb8;
	[tilespmem:$0x10400] =	vst v63  }
0xf8: {  	_ = 	snop  }
0xf9: {  	[tilespmem:s21], [sflag:$0x1] =	stream.indirect.gather [hbm4b:s2+s13], $0x80, s24, s13, $0xb8;
	[tilespmem:$0x10400] =	vst v63  }
0xfa: {  	_ =	swait.ge [sflag:s22], $0x4000  }
0xfb: {  	[sflag:s22] =	ssyncset.done $0x0  }
0xfc: {  	[sflag:s22] =	ssyncadd.s32 $0xFFFFC000  }
0xfd: {  	_ =	swait.ge [sflag:s22], $0x4000  }
0xfe: {  	[sflag:s22] =	ssyncset.done $0x0  }
0xff: {  	[sflag:s22] =	ssyncadd.s32 $0xFFFFC000  }
0x100: {  	_ =	swait.ge [sflag:s22], $0x4000  }
.Ltmp6:
0x101: {  	[sflag:s22] =	ssyncset.done $0x0;
	(pc) =	sbr.rel .LBB2_10-.Ltmp6, $4  }
0x102: {  	[sflag:s22] =	ssyncadd.s32 $0xFFFFC000  }
0x103: {  	_ =	swait.ge [sflag:s22], $0x4000  }
0x104: {  	[sflag:s22] =	ssyncset.done $0x0  }
0x105: {  	s26 =	simm.s32 $0x0;
	s28 =	simm.s32 $0x0;
	[sflag:s22] =	ssyncadd.s32 $0xFFFFC000  }
.LBB2_14:
0x106: {  	s28 =	sadd.s32 $0x1, s28  }
0x107: {  	p0 =	sne.s32 s28, $0x10  }
.Ltmp7:
0x108: {  	_ = 	snop;
	(pc) =	sbr.rel @!p0 .LBB2_15-.Ltmp7, $2  }
0x109: {  	_ =	sdelay $0x2  }
0x10a: {  	s26 =	sadd.s32 $0x10, s26  }
.LBB2_10:
0x10b: {  	s0 =	sor.u32 $0x10, s28  }
0x10c: {  	s3 =	sshll.u32 s28, $0x4;
	s0 =	sshll.u32 s0, $0x4  }
0x10d: {  	s3 =	sand.u32 $0x70, s3;
	s29 =	sand.u32 $0x180, s0  }
0x10e: {  	s3 =	sor.u32 s3, s29  }
0x10f: {  	v33 =	vld [tilespmem:s3+$0x0];
	_ =	sdelay $0x4  }
0x110: {  	vm0 =	vlt.s32 v33, $0x4000  }
0x111: {  	v33 =	vsel vm0, $0x3F800000, v32  }
0x112: {  	(xrf0) =	vmax.scan.msk.f32 $0xffff, v33;
	_ =	sdelay $0x5  }
0x113: {  	v33, _, _ =	vpop (xrf0)  }
0x114: {  	(v2sf) =	vpush v33, $0xF;
	_ =	sdelay $0xe  }
0x115: {  	s31 =	spop (v2sf)  }
0x116: {  	p0 =	sgt.f32 s31, $0.0e+00  }
.Ltmp8:
0x117: {  	_ = 	snop;
	(pc) =	sbr.rel @!p0 .LBB2_14-.Ltmp8, $1  }
0x118: {  	_ =	sdelay $0x3  }
0x119: {  	s3 =	sadd.s32 $0x0, s26  }
0x11a: {  	s3 =	sadd.s32 $0x100, s3  }
0x11b: {  	s0 =	sand.u32 $0xFFFFFF80, s0;
	v34 =	vmov s3  }
0x11c: {  	v33 =	vmov s0;
	v34 =	vand.u32 $0x7F, v34  }
0x11d: {  	v34 =	vor.u32 v33, v34  }
0x11e: {  	v34 =	vbroadcast v34, $0x0;
	_ =	sdelay $0x5  }
0x11f: {  	v34 =	vld.idx.msk [tilespmem:v34+s4+$0x0], $0xffff;
	_ =	sdelay $0x4  }
0x120: {  	vm0 =	vlt.s32 v34, $0x4000  }
0x121: {  	v35 =	vsel vm0, $0x3F800000, v32  }
0x122: {  	(xrf0) =	vmax.scan.msk.f32 $0xffff, v35;
	_ =	sdelay $0x5  }
0x123: {  	v35, _, _ =	vpop (xrf0)  }
0x124: {  	(v2sf) =	vpush v35, $0xF;
	_ =	sdelay $0xe  }
0x125: {  	s3 =	spop (v2sf)  }
0x126: {  	p0 =	sgt.f32 s3, $0.0e+00;
	_ =	sdelay $0x1  }
0x127: {  	s0 =	sadd.s32 @p0 $0x0, s26  }
0x128: {  	v35 =	vlaneseq.u32 @p0;
	s0 =	sshll.u32 @p0 s0, $0x7  }
0x129: {  	v36 =	vor.u32 @p0 s0, v35;
	_ =	sdelay $0x3  }
0x12a: {  	s31 =	simm.s32 @p0 $0x400  }
0x12b: {  	s3 =	simm.s32 @p0 $0x8400;
	v37 =	vld.idx.msk @p0 [tilespmem:v36+s31+$0x0], $0xffff  }
0x12c: {  	v38 =	vld.idx.msk @p0 [tilespmem:v36+s3+$0x0], $0xffff  }
0x12d: {  	v39 =	vor.u32 @p0 $0x10, v35  }
0x12e: {  	v39 =	vor.u32 @p0 s0, v39;
	_ =	sdelay $0x1  }
0x12f: {  	vm0 =	vlt.s32 @p0 v34, $0x4000  }
0x130: {  	v34 =	vsel @p0 vm0, v38, v37  }
0x131: {  	[tilespmem:v36+s31+$0x0] =	vst.idx.msk @p0 $0xffff, v34  }
0x132: {  	v34 =	vld.idx.msk @p0 [tilespmem:v39+s31+$0x0], $0xffff  }
0x133: {  	v36 =	vld.idx.msk @p0 [tilespmem:v39+s3+$0x0], $0xffff  }
0x134: {  	v37 =	vor.u32 @p0 $0x20, v35  }
0x135: {  	v37 =	vor.u32 @p0 s0, v37;
	_ =	sdelay $0x2  }
0x136: {  	v34 =	vsel @p0 vm0, v36, v34  }
0x137: {  	[tilespmem:v39+s31+$0x0] =	vst.idx.msk @p0 $0xffff, v34  }
0x138: {  	v36 =	vld.idx.msk @p0 [tilespmem:v37+s31+$0x0], $0xffff  }
0x139: {  	v38 =	vld.idx.msk @p0 [tilespmem:v37+s3+$0x0], $0xffff  }
0x13a: {  	v34 =	vor.u32 @p0 $0x30, v35  }
0x13b: {  	v34 =	vor.u32 @p0 s0, v34;
	_ =	sdelay $0x1  }
0x13c: {  	s0 =	sadd.s32 $0x1, s26  }
0x13d: {  	s0 =	sadd.s32 $0x100, s0;
	v35 =	vsel @p0 vm0, v38, v36  }
0x13e: {  	v63 =	vmov s0;
	[tilespmem:v37+s31+$0x0] =	vst.idx.msk @p0 $0xffff, v35  }
0x13f: {  	v36 =	vand.u32 $0x7F, v63;
	v35 =	vld.idx.msk @p0 [tilespmem:v34+s31+$0x0], $0xffff  }
0x140: {  	v36 =	vor.u32 v33, v36;
	v37 =	vld.idx.msk @p0 [tilespmem:v34+s3+$0x0], $0xffff  }
0x141: {  	s29 =	simm.s32 $0x1;
	s30 =	simm.s32 $0x2;
	v36 =	vbroadcast v36, $0x0  }
.LBB2_12:
0x142: {  	s0 =	smov.u32 s30;
	s30 =	sadd.s32 $0x1, s30  }
0x143: {  	p1 =	sne.s32 s30, $0x10;
	_ =	sdelay $0x1  }
0x144: {  	v35 =	vsel @p0 vm0, v37, v35  }
0x145: {  	[tilespmem:v34+s31+$0x0] =	vst.idx.msk @p0 $0xffff, v35  }
0x146: {  	v34 =	vld.idx.msk [tilespmem:v36+s4+$0x0], $0xffff;
	_ =	sdelay $0x5  }
0x147: {  	vm0 =	vlt.s32 v34, $0x4000  }
0x148: {  	v35 =	vsel vm0, $0x3F800000, v32  }
0x149: {  	(xrf0) =	vmax.scan.msk.f32 $0xffff, v35;
	_ =	sdelay $0x5  }
0x14a: {  	v35, _, _ =	vpop (xrf0)  }
0x14b: {  	(v2sf) =	vpush v35, $0xF;
	_ =	sdelay $0xe  }
0x14c: {  	s3 =	spop (v2sf)  }
0x14d: {  	p0 =	sgt.f32 s3, $0.0e+00;
	_ =	sdelay $0x1  }
0x14e: {  	s3 =	sadd.s32 @p0 s29, s26;
	s29 =	smov.u32 s0  }
0x14f: {  	v35 =	vlaneseq.u32 @p0;
	s0 =	sshll.u32 @p0 s3, $0x7  }
0x150: {  	v37 =	vor.u32 @p0 $0x10, v35;
	v38 =	vor.u32 @p0 $0x20, v35;
	v36 =	vor.u32 @p0 s0, v35  }
0x151: {  	v35 =	vor.u32 @p0 $0x30, v35;
	_ =	sdelay $0x2  }
0x152: {  	s31 =	simm.s32 @p0 $0x400  }
0x153: {  	s3 =	simm.s32 @p0 $0x8400;
	v39 =	vld.idx.msk @p0 [tilespmem:v36+s31+$0x0], $0xffff  }
0x154: {  	v40 =	vld.idx.msk @p0 [tilespmem:v36+s3+$0x0], $0xffff;
	_ =	sdelay $0x2  }
0x155: {  	v37 =	vor.u32 @p0 s0, v37  }
0x156: {  	vm0 =	vlt.s32 @p0 v34, $0x4000;
	_ =	sdelay $0x1  }
0x157: {  	v34 =	vsel @p0 vm0, v40, v39  }
0x158: {  	[tilespmem:v36+s31+$0x0] =	vst.idx.msk @p0 $0xffff, v34  }
0x159: {  	v34 =	vld.idx.msk @p0 [tilespmem:v37+s31+$0x0], $0xffff  }
0x15a: {  	v36 =	vld.idx.msk @p0 [tilespmem:v37+s3+$0x0], $0xffff;
	_ =	sdelay $0x2  }
0x15b: {  	v38 =	vor.u32 @p0 s0, v38;
	_ =	sdelay $0x2  }
0x15c: {  	v34 =	vsel @p0 vm0, v36, v34  }
0x15d: {  	[tilespmem:v37+s31+$0x0] =	vst.idx.msk @p0 $0xffff, v34  }
0x15e: {  	v36 =	vld.idx.msk @p0 [tilespmem:v38+s31+$0x0], $0xffff  }
0x15f: {  	v37 =	vld.idx.msk @p0 [tilespmem:v38+s3+$0x0], $0xffff;
	_ =	sdelay $0x2  }
0x160: {  	v34 =	vor.u32 @p0 s0, v35;
	_ =	sdelay $0x2  }
0x161: {  	s0 =	sadd.s32 s29, s26;
	v35 =	vsel @p0 vm0, v37, v36  }
.Ltmp9:
0x162: {  	s0 =	sadd.s32 $0x100, s0;
	[tilespmem:v38+s31+$0x0] =	vst.idx.msk @p0 $0xffff, v35;
	(pc) =	sbr.rel @p1 .LBB2_12-.Ltmp9, $4  }
0x163: {  	v36 =	vmov s0;
	v35 =	vld.idx.msk @p0 [tilespmem:v34+s31+$0x0], $0xffff  }
0x164: {  	v36 =	vand.u32 $0x7F, v36;
	v37 =	vld.idx.msk @p0 [tilespmem:v34+s3+$0x0], $0xffff  }
0x165: {  	v36 =	vor.u32 v33, v36  }
0x166: {  	v36 =	vbroadcast v36, $0x0  }
0x167: {  	_ =	sdelay $0x2  }
0x168: {  	v33 =	vsel @p0 vm0, v37, v35  }
0x169: {  	[tilespmem:v34+s31+$0x0] =	vst.idx.msk @p0 $0xffff, v33  }
0x16a: {  	v33 =	vld.idx.msk [tilespmem:v36+s4+$0x0], $0xffff;
	_ =	sdelay $0x4  }
0x16b: {  	vm15 =	vlt.s32 v33, $0x4000  }
0x16c: {  	v63 =	vsel vm15, $0x3F800000, v32  }
0x16d: {  	(xrf0) =	vmax.scan.msk.f32 $0xffff, v63;
	_ =	sdelay $0x5  }
0x16e: {  	v34, _, _ =	vpop (xrf0)  }
0x16f: {  	(v2sf) =	vpush v34, $0xF;
	_ =	sdelay $0xe  }
0x170: {  	s0 =	spop (v2sf)  }
0x171: {  	p0 =	sgt.f32 s0, $0.0e+00;
	_ =	sdelay $0x1  }
0x172: {  	s0 =	sadd.s32 @p0 s29, s26  }
0x173: {  	v34 =	vlaneseq.u32 @p0;
	s0 =	sshll.u32 @p0 s0, $0x7  }
0x174: {  	v35 =	vor.u32 @p0 s0, v34;
	_ =	sdelay $0x3  }
0x175: {  	s3 =	simm.s32 @p0 $0x400  }
0x176: {  	s29 =	simm.s32 @p0 $0x8400;
	v36 =	vld.idx.msk @p0 [tilespmem:v35+s3+$0x0], $0xffff  }
0x177: {  	v37 =	vld.idx.msk @p0 [tilespmem:v35+s29+$0x0], $0xffff  }
0x178: {  	v38 =	vor.u32 @p0 $0x10, v34  }
0x179: {  	v38 =	vor.u32 @p0 s0, v38;
	_ =	sdelay $0x1  }
0x17a: {  	vm0 =	vlt.s32 @p0 v33, $0x4000  }
0x17b: {  	v33 =	vsel @p0 vm0, v37, v36  }
0x17c: {  	[tilespmem:v35+s3+$0x0] =	vst.idx.msk @p0 $0xffff, v33  }
0x17d: {  	v33 =	vld.idx.msk @p0 [tilespmem:v38+s3+$0x0], $0xffff  }
0x17e: {  	v35 =	vld.idx.msk @p0 [tilespmem:v38+s29+$0x0], $0xffff  }
0x17f: {  	v36 =	vor.u32 @p0 $0x20, v34  }
0x180: {  	v36 =	vor.u32 @p0 s0, v36;
	_ =	sdelay $0x2  }
0x181: {  	v33 =	vsel @p0 vm0, v35, v33  }
0x182: {  	[tilespmem:v38+s3+$0x0] =	vst.idx.msk @p0 $0xffff, v33  }
0x183: {  	v33 =	vld.idx.msk @p0 [tilespmem:v36+s3+$0x0], $0xffff  }
0x184: {  	v35 =	vld.idx.msk @p0 [tilespmem:v36+s29+$0x0], $0xffff  }
0x185: {  	v34 =	vor.u32 @p0 $0x30, v34  }
0x186: {  	v34 =	vor.u32 @p0 s0, v34;
	_ =	sdelay $0x2  }
0x187: {  	v33 =	vsel @p0 vm0, v35, v33  }
0x188: {  	[tilespmem:v36+s3+$0x0] =	vst.idx.msk @p0 $0xffff, v33  }
0x189: {  	v33 =	vld.idx.msk @p0 [tilespmem:v34+s3+$0x0], $0xffff  }
0x18a: {  	v35 =	vld.idx.msk @p0 [tilespmem:v34+s29+$0x0], $0xffff;
	_ =	sdelay $0x1  }
.Ltmp10:
0x18b: {  	_ = 	snop;
	(pc) =	sbr.rel .LBB2_14-.Ltmp10, $3  }
0x18c: {  	_ =	sdelay $0x1  }
0x18d: {  	v33 =	vsel @p0 vm0, v35, v33  }
0x18e: {  	[tilespmem:v34+s3+$0x0] =	vst.idx.msk @p0 $0xffff, v33  }
.LBB2_15:
0x18f: {  	s0 =	simm.s32 $0x400  }
0x190: {  	s26 =	simm.s32 $0x8;
	s29 =	sadd.s32 $0x0, s10;
	s28 =	simm.s32 $0x480  }
.LBB2_16:
0x191: {  	[hbm4b:s29+s4] =	stream.linear.scatter [tilespmem:s0], [sflag:$0x2], $0x40, $0x38;
	[tilespmem:$0x10400] =	vst v63  }
0x192: {  	s3 =	smov.u32 s26;
	s0 =	smov.u32 s28;
	p0 =	sne.s32 s26, $0x7F8  }
.Ltmp11:
0x193: {  	s26 =	sadd.s32 $0x8, s26;
	(pc) =	sbr.rel @p0 .LBB2_16-.Ltmp11, $2  }
0x194: {  	_ =	sdelay $0x2  }
0x195: {  	s28 =	sadd.s32 $0x80, s28;
	s29 =	sadd.s32 s3, s10  }
0x196: {  	s25 =	sadd.s32 $0x1, s25  }
0x197: {  	p0 =	sne.s32 s25, s11  }
.Ltmp12:
0x198: {  	_ = 	snop;
	(pc) =	sbr.rel @p0 .LBB2_1-.Ltmp12, $4  }
0x199: {  	[hbm4b:s29+s4] =	stream.linear.scatter [tilespmem:s0], [sflag:$0x2], $0x40, $0x38;
	[tilespmem:$0x10400] =	vst v63  }
0x19a: {  	_ =	swait.ge [sflag:s12], $0x4000  }
0x19b: {  	[sflag:s12] =	ssyncset.done $0x0  }
0x19c: {  	[sflag:s12] =	ssyncadd.s32 $0xFFFFC000  }
0x19d: {  	_ =	sfence.sel $0x180000  }
0x19e: {  	[bflag:$0x0] =	sbarrier.arrive $0xFFFF  }
0x19f: {  	_ =	strace $0x90000047  }
0x1a0: {  	s0 =	stileid.u32;
	[bflag:$0x2] =	sbarrier.arrive $0xFFFF  }
0x1a1: {  	p0 =	sne.s32 s0, $0x0;
	s0 =	rddreg [dreg:$0x4]  }
0x1a2: {  	s0 =	sadd.s32 @!p0 $0x100000, s0  }
0x1a3: {  	[sflag:s0] =	ssyncadd.tile.s32 @!p0 $0x1;
	_ =	shalt  }
.Lfunc_end2:
_tile_overlayer_lowered:
.L_overlay_start_2:
0x1a4: {  	(tag) =	ssettag $0x2  }
0x1a5: {  	s0 =	rddreg [dreg:$0x0];
	s2 =	stileid.u32  }
0x1a6: {  	s1 =	rddreg [dreg:$0x1];
	p0 =	sne.s32 s2, $0x0  }
0x1a7: {  	s3 =	rddreg [dreg:$0x2];
	[bflag:$0x3] =	sbarrier.arrive $0xFFFF;
	s2 =	simm.s32 @!p0 $0x1C02  }
0x1a8: {  	[timem:s3], [sflag:s2] =	dma.local @!p0 [hbm:s0], s1  }
0x1a9: {  	s0 =	simm.s32 @!p0 $0x2  }
0x1aa: {  	_ =	swait.ge @!p0 [sflag:s0], s1  }
0x1ab: {  	s1 =	ssub.s32 @!p0 $0x0, s1;
	[sflag:s0] =	ssyncset.done @!p0 $0x0  }
0x1ac: {  	[sflag:s0] =	ssyncadd.s32 @!p0 s1  }
0x1ad: {  	[bflag:$0x3] =	sbarrier.arrive $0xFFFF  }
0x1ae: {  	_ =	shalt  }

</sc_bundles>
